<compile_context>
chip_gen: v7x
topology: tpu7x:2x2x1
jax: 0.10.2.dev20260603
libtpu: 0.0.44.dev20260713+nightly
codegen_flags: <defaults>
</compile_context>

<pallas_src>
import functools
import jax
import jax.numpy as jnp
from jax import lax
from jax.experimental import pallas as pl
from jax.experimental.pallas import tpu as pltpu
from jax.experimental.pallas import tpu_sc as plsc

D_MODEL = 2048
NUM_ROWS = 32

_info = plsc.get_sparse_core_info()
_NC, _NS = _info.num_cores, _info.num_subcores
_NW = _NC * _NS


@functools.partial(jax.jit, static_argnames=("n",))
def _emb_lookup(ids_flat, emb_weight, n):
    b_per_w = n // _NW
    U = 16
    W = 8
    n_ch = b_per_w // U
    mesh = plsc.VectorSubcoreMesh(core_axis_name="c", subcore_axis_name="s")

    @functools.partial(
        pl.kernel,
        mesh=mesh,
        out_type=jax.ShapeDtypeStruct((n, D_MODEL), jnp.float32),
        scratch_types=[
            pltpu.VMEM((NUM_ROWS, D_MODEL), jnp.float32),
            pltpu.VMEM((b_per_w,), jnp.int32),
            pltpu.SemaphoreType.DMA,
        ],
    )
    def k(table_hbm, ids_hbm, out_hbm, table_v, idx_v, sem):
        wid = lax.axis_index("s") * _NC + lax.axis_index("c")
        base = wid * b_per_w
        pltpu.sync_copy(table_hbm, table_v)
        pltpu.sync_copy(ids_hbm.at[pl.ds(base, b_per_w)], idx_v)

        def wait_chunk():
            pltpu.make_async_copy(
                table_v.at[pl.ds(0, U)], out_hbm.at[pl.ds(base, U)], sem
            ).wait()

        def body(c, _):
            i0 = c * U
            ids_vec = idx_v[pl.ds(i0, U)]
            for j in range(U):
                row = ids_vec[j]
                pltpu.async_copy(
                    table_v.at[pl.ds(row, 1)],
                    out_hbm.at[pl.ds(base + i0 + j, 1)],
                    sem,
                )

            @pl.when(c >= W)
            def _():
                wait_chunk()

            return ()

        lax.fori_loop(0, n_ch, body, (), unroll=False)

        def dbody(c, _):
            wait_chunk()
            return ()

        lax.fori_loop(0, W, dbody, (), unroll=False)

    return k(emb_weight, ids_flat)


def kernel(cont_ids, emb_weight):
    b, t = cont_ids.shape
    n = b * t
    ids_flat = cont_ids.reshape(n).astype(jnp.int32)
    out = _emb_lookup(ids_flat, emb_weight, n)
    return out.reshape(b, t, D_MODEL)

# --- scband reference (transcript-rebuilt; emitter-appended) ---
"""Pipeline reference for scband-continuation-embedding-28810640621993 (READ-ONLY COPY).

The authoritative reference and input builder live on the scoring server;
editing this copy changes nothing except your own understanding.
"""

import jax, jax.numpy as jnp
import numpy as np

D_MODEL = 2048
MAX_COUNT = 32
B, T = 4, 8192


def setup_inputs(seed: int = 0) -> dict:
    key = jax.random.key(seed)
    k_ids, k_w = jax.random.split(key)
    cont_ids = jax.random.randint(k_ids, (B, T), 0, MAX_COUNT, dtype=jnp.int64 if jax.config.jax_enable_x64 else jnp.int32)
    emb_weight = jax.random.normal(k_w, (MAX_COUNT, D_MODEL), dtype=jnp.float32) * 0.01
    return {"cont_ids": cont_ids, "emb_weight": emb_weight}


def reference(cont_ids, emb_weight):
    # nn.Embedding lookup: (B, T) int -> (B, T, D)
    return jnp.take(emb_weight, cont_ids, axis=0)

if __name__ == "__main__":
    import jax
    _d = setup_inputs()
    print(jax.jit(kernel)(*tuple(_d.values())))

</pallas_src>

<mosaic_0001>
#map = affine_map<(d0, d1) -> (0, 0)>
#map1 = affine_map<(d0, d1) -> (0)>
module attributes {stable_mosaic.version = 14 : i64} {
  func.func @k(%arg0: i32, %arg1: i32, %arg2: memref<32x2048xf32, #tpu.memory_space<hbm>>, %arg3: memref<32768xi32, #tpu.memory_space<hbm>>, %arg4: memref<32768x2048xf32, #tpu.memory_space<hbm>>, %arg5: memref<32x2048xf32, #tpu.memory_space<vmem>>, %arg6: memref<1024xi32, #tpu.memory_space<vmem>>, %arg7: memref<!tpu.dma_semaphore, #tpu.memory_space<semaphore_mem>>) attributes {dimension_semantics = [#tpu.dimension_semantics<core_parallel>, #tpu.dimension_semantics<subcore_parallel>], iteration_bounds = array<i64: 2, 16>, scalar_prefetch = 0 : i64, scratch_operands = 3 : i64, tpu.core_type = #tpu.core_type<sc_vector_subcore>, window_params = [{transform_indices = #map}, {transform_indices = #map1}, {transform_indices = #map}]} {
    %mul3A = arith.constant 2 : i32
    %mul3A_0 = arith.muli %arg1, %mul3A : i32
    %add3A = arith.addi %mul3A_0, %arg0 : i32
    %mul3A_1 = arith.constant 1024 : i32
    %mul3A_2 = arith.muli %add3A, %mul3A_1 : i32
    "tpu.region"() ({
      %run_scoped3A = tpu.sem_alloc : memref<!tpu.dma_semaphore, #tpu.memory_space<semaphore_mem>>
      tpu.enqueue_dma source(%arg2 : memref<32x2048xf32, #tpu.memory_space<hbm>>) target(%arg5 : memref<32x2048xf32, #tpu.memory_space<vmem>>) target_semaphore(%run_scoped3A : memref<!tpu.dma_semaphore, #tpu.memory_space<semaphore_mem>>)
      tpu.wait_dma2 semaphore(%run_scoped3A : memref<!tpu.dma_semaphore, #tpu.memory_space<semaphore_mem>>) src(%arg2 : memref<32x2048xf32, #tpu.memory_space<hbm>>) dst(%arg5 : memref<32x2048xf32, #tpu.memory_space<vmem>>)
      tpu.yield
    }) : () -> ()
    "tpu.region"() ({
      %run_scoped3A = tpu.sem_alloc : memref<!tpu.dma_semaphore, #tpu.memory_space<semaphore_mem>>
      %dma_start3A = tpu.memref_slice %arg3[%mul3A_2] : memref<32768xi32, #tpu.memory_space<hbm>> -> memref<1024xi32, #tpu.memory_space<hbm>>
      %dma_start3A_12 = tpu.memref_slice %arg3[%mul3A_2] : memref<32768xi32, #tpu.memory_space<hbm>> -> memref<1024xi32, #tpu.memory_space<hbm>>
      tpu.enqueue_dma source(%dma_start3A_12 : memref<1024xi32, #tpu.memory_space<hbm>>) target(%arg6 : memref<1024xi32, #tpu.memory_space<vmem>>) target_semaphore(%run_scoped3A : memref<!tpu.dma_semaphore, #tpu.memory_space<semaphore_mem>>)
      %dma_wait3A = tpu.memref_slice %arg3[%mul3A_2] : memref<32768xi32, #tpu.memory_space<hbm>> -> memref<1024xi32, #tpu.memory_space<hbm>>
      %dma_wait3A_13 = tpu.memref_slice %arg3[%mul3A_2] : memref<32768xi32, #tpu.memory_space<hbm>> -> memref<1024xi32, #tpu.memory_space<hbm>>
      tpu.wait_dma2 semaphore(%run_scoped3A : memref<!tpu.dma_semaphore, #tpu.memory_space<semaphore_mem>>) src(%dma_wait3A_13 : memref<1024xi32, #tpu.memory_space<hbm>>) dst(%arg6 : memref<1024xi32, #tpu.memory_space<vmem>>)
      tpu.yield
    }) : () -> ()
    %scan3A = arith.constant 0 : i32
    %scan3A_3 = arith.constant 64 : i32
    %scan3A_4 = arith.addi %scan3A, %scan3A_3 : i32
    %scan3A_5 = arith.constant 1 : i32
    scf.for %scan3A_12 = %scan3A to %scan3A_4 step %scan3A_5  : i32 {
      %mul3A_13 = arith.constant 16 : i32
      %mul3A_14 = arith.muli %scan3A_12, %mul3A_13 : i32
      %get3A = arith.index_cast %mul3A_14 : i32 to index
      %get3A_15 = tpu.vector_load %arg6[%get3A] {strides = array<i32>} : memref<1024xi32, #tpu.memory_space<vmem>>, vector<16xi32>,
      %get3A_16 = vector.shape_cast %get3A_15 : vector<16xi32> to vector<16xi32>
      %slice3A = vector.extract_strided_slice %get3A_16 {offsets = [0], sizes = [1], strides = [1]} : vector<16xi32> to vector<1xi32>
      %squeeze3A = vector.extract %slice3A[0] : i32 from vector<1xi32>
      %add3A_17 = arith.addi %mul3A_2, %mul3A_14 : i32
      %add3A_18 = arith.constant 0 : i32
      %add3A_19 = arith.addi %add3A_17, %add3A_18 : i32
      %dma_start3A = arith.constant 0 : i32
      %dma_start3A_20 = tpu.memref_slice %arg5[%squeeze3A, %dma_start3A] : memref<32x2048xf32, #tpu.memory_space<vmem>> -> memref<1x2048xf32, #tpu.memory_space<vmem>>
      %dma_start3A_21 = arith.constant 0 : i32
      %dma_start3A_22 = tpu.memref_slice %arg4[%add3A_19, %dma_start3A_21] : memref<32768x2048xf32, #tpu.memory_space<hbm>> -> memref<1x2048xf32, #tpu.memory_space<hbm>>
      %dma_start3A_23 = arith.constant 0 : i32
      %dma_start3A_24 = tpu.memref_slice %arg4[%add3A_19, %dma_start3A_23] : memref<32768x2048xf32, #tpu.memory_space<hbm>> -> memref<1x2048xf32, #tpu.memory_space<hbm>>
      %dma_start3A_25 = arith.constant 0 : i32
      %dma_start3A_26 = tpu.memref_slice %arg5[%squeeze3A, %dma_start3A_25] : memref<32x2048xf32, #tpu.memory_space<vmem>> -> memref<1x2048xf32, #tpu.memory_space<vmem>>
      tpu.enqueue_dma source(%dma_start3A_26 : memref<1x2048xf32, #tpu.memory_space<vmem>>) target(%dma_start3A_24 : memref<1x2048xf32, #tpu.memory_space<hbm>>) target_semaphore(%arg7 : memref<!tpu.dma_semaphore, #tpu.memory_space<semaphore_mem>>)
      %slice3A_27 = vector.extract_strided_slice %get3A_16 {offsets = [1], sizes = [1], strides = [1]} : vector<16xi32> to vector<1xi32>
      %squeeze3A_28 = vector.extract %slice3A_27[0] : i32 from vector<1xi32>
      %add3A_29 = arith.addi %mul3A_2, %mul3A_14 : i32
      %add3A_30 = arith.constant 1 : i32
      %add3A_31 = arith.addi %add3A_29, %add3A_30 : i32
      %dma_start3A_32 = arith.constant 0 : i32
      %dma_start3A_33 = tpu.memref_slice %arg5[%squeeze3A_28, %dma_start3A_32] : memref<32x2048xf32, #tpu.memory_space<vmem>> -> memref<1x2048xf32, #tpu.memory_space<vmem>>
      %dma_start3A_34 = arith.constant 0 : i32
      %dma_start3A_35 = tpu.memref_slice %arg4[%add3A_31, %dma_start3A_34] : memref<32768x2048xf32, #tpu.memory_space<hbm>> -> memref<1x2048xf32, #tpu.memory_space<hbm>>
      %dma_start3A_36 = arith.constant 0 : i32
      %dma_start3A_37 = tpu.memref_slice %arg4[%add3A_31, %dma_start3A_36] : memref<32768x2048xf32, #tpu.memory_space<hbm>> -> memref<1x2048xf32, #tpu.memory_space<hbm>>
      %dma_start3A_38 = arith.constant 0 : i32
      %dma_start3A_39 = tpu.memref_slice %arg5[%squeeze3A_28, %dma_start3A_38] : memref<32x2048xf32, #tpu.memory_space<vmem>> -> memref<1x2048xf32, #tpu.memory_space<vmem>>
      tpu.enqueue_dma source(%dma_start3A_39 : memref<1x2048xf32, #tpu.memory_space<vmem>>) target(%dma_start3A_37 : memref<1x2048xf32, #tpu.memory_space<hbm>>) target_semaphore(%arg7 : memref<!tpu.dma_semaphore, #tpu.memory_space<semaphore_mem>>)
      %slice3A_40 = vector.extract_strided_slice %get3A_16 {offsets = [2], sizes = [1], strides = [1]} : vector<16xi32> to vector<1xi32>
      %squeeze3A_41 = vector.extract %slice3A_40[0] : i32 from vector<1xi32>
      %add3A_42 = arith.addi %mul3A_2, %mul3A_14 : i32
      %add3A_43 = arith.constant 2 : i32
      %add3A_44 = arith.addi %add3A_42, %add3A_43 : i32
      %dma_start3A_45 = arith.constant 0 : i32
      %dma_start3A_46 = tpu.memref_slice %arg5[%squeeze3A_41, %dma_start3A_45] : memref<32x2048xf32, #tpu.memory_space<vmem>> -> memref<1x2048xf32, #tpu.memory_space<vmem>>
      %dma_start3A_47 = arith.constant 0 : i32
      %dma_start3A_48 = tpu.memref_slice %arg4[%add3A_44, %dma_start3A_47] : memref<32768x2048xf32, #tpu.memory_space<hbm>> -> memref<1x2048xf32, #tpu.memory_space<hbm>>
      %dma_start3A_49 = arith.constant 0 : i32
      %dma_start3A_50 = tpu.memref_slice %arg4[%add3A_44, %dma_start3A_49] : memref<32768x2048xf32, #tpu.memory_space<hbm>> -> memref<1x2048xf32, #tpu.memory_space<hbm>>
      %dma_start3A_51 = arith.constant 0 : i32
      %dma_start3A_52 = tpu.memref_slice %arg5[%squeeze3A_41, %dma_start3A_51] : memref<32x2048xf32, #tpu.memory_space<vmem>> -> memref<1x2048xf32, #tpu.memory_space<vmem>>
      tpu.enqueue_dma source(%dma_start3A_52 : memref<1x2048xf32, #tpu.memory_space<vmem>>) target(%dma_start3A_50 : memref<1x2048xf32, #tpu.memory_space<hbm>>) target_semaphore(%arg7 : memref<!tpu.dma_semaphore, #tpu.memory_space<semaphore_mem>>)
      %slice3A_53 = vector.extract_strided_slice %get3A_16 {offsets = [3], sizes = [1], strides = [1]} : vector<16xi32> to vector<1xi32>
      %squeeze3A_54 = vector.extract %slice3A_53[0] : i32 from vector<1xi32>
      %add3A_55 = arith.addi %mul3A_2, %mul3A_14 : i32
      %add3A_56 = arith.constant 3 : i32
      %add3A_57 = arith.addi %add3A_55, %add3A_56 : i32
      %dma_start3A_58 = arith.constant 0 : i32
      %dma_start3A_59 = tpu.memref_slice %arg5[%squeeze3A_54, %dma_start3A_58] : memref<32x2048xf32, #tpu.memory_space<vmem>> -> memref<1x2048xf32, #tpu.memory_space<vmem>>
      %dma_start3A_60 = arith.constant 0 : i32
      %dma_start3A_61 = tpu.memref_slice %arg4[%add3A_57, %dma_start3A_60] : memref<32768x2048xf32, #tpu.memory_space<hbm>> -> memref<1x2048xf32, #tpu.memory_space<hbm>>
      %dma_start3A_62 = arith.constant 0 : i32
      %dma_start3A_63 = tpu.memref_slice %arg4[%add3A_57, %dma_start3A_62] : memref<32768x2048xf32, #tpu.memory_space<hbm>> -> memref<1x2048xf32, #tpu.memory_space<hbm>>
      %dma_start3A_64 = arith.constant 0 : i32
      %dma_start3A_65 = tpu.memref_slice %arg5[%squeeze3A_54, %dma_start3A_64] : memref<32x2048xf32, #tpu.memory_space<vmem>> -> memref<1x2048xf32, #tpu.memory_space<vmem>>
      tpu.enqueue_dma source(%dma_start3A_65 : memref<1x2048xf32, #tpu.memory_space<vmem>>) target(%dma_start3A_63 : memref<1x2048xf32, #tpu.memory_space<hbm>>) target_semaphore(%arg7 : memref<!tpu.dma_semaphore, #tpu.memory_space<semaphore_mem>>)
      %slice3A_66 = vector.extract_strided_slice %get3A_16 {offsets = [4], sizes = [1], strides = [1]} : vector<16xi32> to vector<1xi32>
      %squeeze3A_67 = vector.extract %slice3A_66[0] : i32 from vector<1xi32>
      %add3A_68 = arith.addi %mul3A_2, %mul3A_14 : i32
      %add3A_69 = arith.constant 4 : i32
      %add3A_70 = arith.addi %add3A_68, %add3A_69 : i32
      %dma_start3A_71 = arith.constant 0 : i32
      %dma_start3A_72 = tpu.memref_slice %arg5[%squeeze3A_67, %dma_start3A_71] : memref<32x2048xf32, #tpu.memory_space<vmem>> -> memref<1x2048xf32, #tpu.memory_space<vmem>>
      %dma_start3A_73 = arith.constant 0 : i32
      %dma_start3A_74 = tpu.memref_slice %arg4[%add3A_70, %dma_start3A_73] : memref<32768x2048xf32, #tpu.memory_space<hbm>> -> memref<1x2048xf32, #tpu.memory_space<hbm>>
      %dma_start3A_75 = arith.constant 0 : i32
      %dma_start3A_76 = tpu.memref_slice %arg4[%add3A_70, %dma_start3A_75] : memref<32768x2048xf32, #tpu.memory_space<hbm>> -> memref<1x2048xf32, #tpu.memory_space<hbm>>
      %dma_start3A_77 = arith.constant 0 : i32
      %dma_start3A_78 = tpu.memref_slice %arg5[%squeeze3A_67, %dma_start3A_77] : memref<32x2048xf32, #tpu.memory_space<vmem>> -> memref<1x2048xf32, #tpu.memory_space<vmem>>
      tpu.enqueue_dma source(%dma_start3A_78 : memref<1x2048xf32, #tpu.memory_space<vmem>>) target(%dma_start3A_76 : memref<1x2048xf32, #tpu.memory_space<hbm>>) target_semaphore(%arg7 : memref<!tpu.dma_semaphore, #tpu.memory_space<semaphore_mem>>)
      %slice3A_79 = vector.extract_strided_slice %get3A_16 {offsets = [5], sizes = [1], strides = [1]} : vector<16xi32> to vector<1xi32>
      %squeeze3A_80 = vector.extract %slice3A_79[0] : i32 from vector<1xi32>
      %add3A_81 = arith.addi %mul3A_2, %mul3A_14 : i32
      %add3A_82 = arith.constant 5 : i32
      %add3A_83 = arith.addi %add3A_81, %add3A_82 : i32
      %dma_start3A_84 = arith.constant 0 : i32
      %dma_start3A_85 = tpu.memref_slice %arg5[%squeeze3A_80, %dma_start3A_84] : memref<32x2048xf32, #tpu.memory_space<vmem>> -> memref<1x2048xf32, #tpu.memory_space<vmem>>
      %dma_start3A_86 = arith.constant 0 : i32
      %dma_start3A_87 = tpu.memref_slice %arg4[%add3A_83, %dma_start3A_86] : memref<32768x2048xf32, #tpu.memory_space<hbm>> -> memref<1x2048xf32, #tpu.memory_space<hbm>>
      %dma_start3A_88 = arith.constant 0 : i32
      %dma_start3A_89 = tpu.memref_slice %arg4[%add3A_83, %dma_start3A_88] : memref<32768x2048xf32, #tpu.memory_space<hbm>> -> memref<1x2048xf32, #tpu.memory_space<hbm>>
      %dma_start3A_90 = arith.constant 0 : i32
      %dma_start3A_91 = tpu.memref_slice %arg5[%squeeze3A_80, %dma_start3A_90] : memref<32x2048xf32, #tpu.memory_space<vmem>> -> memref<1x2048xf32, #tpu.memory_space<vmem>>
      tpu.enqueue_dma source(%dma_start3A_91 : memref<1x2048xf32, #tpu.memory_space<vmem>>) target(%dma_start3A_89 : memref<1x2048xf32, #tpu.memory_space<hbm>>) target_semaphore(%arg7 : memref<!tpu.dma_semaphore, #tpu.memory_space<semaphore_mem>>)
      %slice3A_92 = vector.extract_strided_slice %get3A_16 {offsets = [6], sizes = [1], strides = [1]} : vector<16xi32> to vector<1xi32>
      %squeeze3A_93 = vector.extract %slice3A_92[0] : i32 from vector<1xi32>
      %add3A_94 = arith.addi %mul3A_2, %mul3A_14 : i32
      %add3A_95 = arith.constant 6 : i32
      %add3A_96 = arith.addi %add3A_94, %add3A_95 : i32
      %dma_start3A_97 = arith.constant 0 : i32
      %dma_start3A_98 = tpu.memref_slice %arg5[%squeeze3A_93, %dma_start3A_97] : memref<32x2048xf32, #tpu.memory_space<vmem>> -> memref<1x2048xf32, #tpu.memory_space<vmem>>
      %dma_start3A_99 = arith.constant 0 : i32
      %dma_start3A_100 = tpu.memref_slice %arg4[%add3A_96, %dma_start3A_99] : memref<32768x2048xf32, #tpu.memory_space<hbm>> -> memref<1x2048xf32, #tpu.memory_space<hbm>>
      %dma_start3A_101 = arith.constant 0 : i32
      %dma_start3A_102 = tpu.memref_slice %arg4[%add3A_96, %dma_start3A_101] : memref<32768x2048xf32, #tpu.memory_space<hbm>> -> memref<1x2048xf32, #tpu.memory_space<hbm>>
      %dma_start3A_103 = arith.constant 0 : i32
      %dma_start3A_104 = tpu.memref_slice %arg5[%squeeze3A_93, %dma_start3A_103] : memref<32x2048xf32, #tpu.memory_space<vmem>> -> memref<1x2048xf32, #tpu.memory_space<vmem>>
      tpu.enqueue_dma source(%dma_start3A_104 : memref<1x2048xf32, #tpu.memory_space<vmem>>) target(%dma_start3A_102 : memref<1x2048xf32, #tpu.memory_space<hbm>>) target_semaphore(%arg7 : memref<!tpu.dma_semaphore, #tpu.memory_space<semaphore_mem>>)
      %slice3A_105 = vector.extract_strided_slice %get3A_16 {offsets = [7], sizes = [1], strides = [1]} : vector<16xi32> to vector<1xi32>
      %squeeze3A_106 = vector.extract %slice3A_105[0] : i32 from vector<1xi32>
      %add3A_107 = arith.addi %mul3A_2, %mul3A_14 : i32
      %add3A_108 = arith.constant 7 : i32
      %add3A_109 = arith.addi %add3A_107, %add3A_108 : i32
      %dma_start3A_110 = arith.constant 0 : i32
      %dma_start3A_111 = tpu.memref_slice %arg5[%squeeze3A_106, %dma_start3A_110] : memref<32x2048xf32, #tpu.memory_space<vmem>> -> memref<1x2048xf32, #tpu.memory_space<vmem>>
      %dma_start3A_112 = arith.constant 0 : i32
      %dma_start3A_113 = tpu.memref_slice %arg4[%add3A_109, %dma_start3A_112] : memref<32768x2048xf32, #tpu.memory_space<hbm>> -> memref<1x2048xf32, #tpu.memory_space<hbm>>
      %dma_start3A_114 = arith.constant 0 : i32
      %dma_start3A_115 = tpu.memref_slice %arg4[%add3A_109, %dma_start3A_114] : memref<32768x2048xf32, #tpu.memory_space<hbm>> -> memref<1x2048xf32, #tpu.memory_space<hbm>>
      %dma_start3A_116 = arith.constant 0 : i32
      %dma_start3A_117 = tpu.memref_slice %arg5[%squeeze3A_106, %dma_start3A_116] : memref<32x2048xf32, #tpu.memory_space<vmem>> -> memref<1x2048xf32, #tpu.memory_space<vmem>>
      tpu.enqueue_dma source(%dma_start3A_117 : memref<1x2048xf32, #tpu.memory_space<vmem>>) target(%dma_start3A_115 : memref<1x2048xf32, #tpu.memory_space<hbm>>) target_semaphore(%arg7 : memref<!tpu.dma_semaphore, #tpu.memory_space<semaphore_mem>>)
      %slice3A_118 = vector.extract_strided_slice %get3A_16 {offsets = [8], sizes = [1], strides = [1]} : vector<16xi32> to vector<1xi32>
      %squeeze3A_119 = vector.extract %slice3A_118[0] : i32 from vector<1xi32>
      %add3A_120 = arith.addi %mul3A_2, %mul3A_14 : i32
      %add3A_121 = arith.constant 8 : i32
      %add3A_122 = arith.addi %add3A_120, %add3A_121 : i32
      %dma_start3A_123 = arith.constant 0 : i32
      %dma_start3A_124 = tpu.memref_slice %arg5[%squeeze3A_119, %dma_start3A_123] : memref<32x2048xf32, #tpu.memory_space<vmem>> -> memref<1x2048xf32, #tpu.memory_space<vmem>>
      %dma_start3A_125 = arith.constant 0 : i32
      %dma_start3A_126 = tpu.memref_slice %arg4[%add3A_122, %dma_start3A_125] : memref<32768x2048xf32, #tpu.memory_space<hbm>> -> memref<1x2048xf32, #tpu.memory_space<hbm>>
      %dma_start3A_127 = arith.constant 0 : i32
      %dma_start3A_128 = tpu.memref_slice %arg4[%add3A_122, %dma_start3A_127] : memref<32768x2048xf32, #tpu.memory_space<hbm>> -> memref<1x2048xf32, #tpu.memory_space<hbm>>
      %dma_start3A_129 = arith.constant 0 : i32
      %dma_start3A_130 = tpu.memref_slice %arg5[%squeeze3A_119, %dma_start3A_129] : memref<32x2048xf32, #tpu.memory_space<vmem>> -> memref<1x2048xf32, #tpu.memory_space<vmem>>
      tpu.enqueue_dma source(%dma_start3A_130 : memref<1x2048xf32, #tpu.memory_space<vmem>>) target(%dma_start3A_128 : memref<1x2048xf32, #tpu.memory_space<hbm>>) target_semaphore(%arg7 : memref<!tpu.dma_semaphore, #tpu.memory_space<semaphore_mem>>)
      %slice3A_131 = vector.extract_strided_slice %get3A_16 {offsets = [9], sizes = [1], strides = [1]} : vector<16xi32> to vector<1xi32>
      %squeeze3A_132 = vector.extract %slice3A_131[0] : i32 from vector<1xi32>
      %add3A_133 = arith.addi %mul3A_2, %mul3A_14 : i32
      %add3A_134 = arith.constant 9 : i32
      %add3A_135 = arith.addi %add3A_133, %add3A_134 : i32
      %dma_start3A_136 = arith.constant 0 : i32
      %dma_start3A_137 = tpu.memref_slice %arg5[%squeeze3A_132, %dma_start3A_136] : memref<32x2048xf32, #tpu.memory_space<vmem>> -> memref<1x2048xf32, #tpu.memory_space<vmem>>
      %dma_start3A_138 = arith.constant 0 : i32
      %dma_start3A_139 = tpu.memref_slice %arg4[%add3A_135, %dma_start3A_138] : memref<32768x2048xf32, #tpu.memory_space<hbm>> -> memref<1x2048xf32, #tpu.memory_space<hbm>>
      %dma_start3A_140 = arith.constant 0 : i32
      %dma_start3A_141 = tpu.memref_slice %arg4[%add3A_135, %dma_start3A_140] : memref<32768x2048xf32, #tpu.memory_space<hbm>> -> memref<1x2048xf32, #tpu.memory_space<hbm>>
      %dma_start3A_142 = arith.constant 0 : i32
      %dma_start3A_143 = tpu.memref_slice %arg5[%squeeze3A_132, %dma_start3A_142] : memref<32x2048xf32, #tpu.memory_space<vmem>> -> memref<1x2048xf32, #tpu.memory_space<vmem>>
      tpu.enqueue_dma source(%dma_start3A_143 : memref<1x2048xf32, #tpu.memory_space<vmem>>) target(%dma_start3A_141 : memref<1x2048xf32, #tpu.memory_space<hbm>>) target_semaphore(%arg7 : memref<!tpu.dma_semaphore, #tpu.memory_space<semaphore_mem>>)
      %slice3A_144 = vector.extract_strided_slice %get3A_16 {offsets = [10], sizes = [1], strides = [1]} : vector<16xi32> to vector<1xi32>
      %squeeze3A_145 = vector.extract %slice3A_144[0] : i32 from vector<1xi32>
      %add3A_146 = arith.addi %mul3A_2, %mul3A_14 : i32
      %add3A_147 = arith.constant 10 : i32
      %add3A_148 = arith.addi %add3A_146, %add3A_147 : i32
      %dma_start3A_149 = arith.constant 0 : i32
      %dma_start3A_150 = tpu.memref_slice %arg5[%squeeze3A_145, %dma_start3A_149] : memref<32x2048xf32, #tpu.memory_space<vmem>> -> memref<1x2048xf32, #tpu.memory_space<vmem>>
      %dma_start3A_151 = arith.constant 0 : i32
      %dma_start3A_152 = tpu.memref_slice %arg4[%add3A_148, %dma_start3A_151] : memref<32768x2048xf32, #tpu.memory_space<hbm>> -> memref<1x2048xf32, #tpu.memory_space<hbm>>
      %dma_start3A_153 = arith.constant 0 : i32
      %dma_start3A_154 = tpu.memref_slice %arg4[%add3A_148, %dma_start3A_153] : memref<32768x2048xf32, #tpu.memory_space<hbm>> -> memref<1x2048xf32, #tpu.memory_space<hbm>>
      %dma_start3A_155 = arith.constant 0 : i32
      %dma_start3A_156 = tpu.memref_slice %arg5[%squeeze3A_145, %dma_start3A_155] : memref<32x2048xf32, #tpu.memory_space<vmem>> -> memref<1x2048xf32, #tpu.memory_space<vmem>>
      tpu.enqueue_dma source(%dma_start3A_156 : memref<1x2048xf32, #tpu.memory_space<vmem>>) target(%dma_start3A_154 : memref<1x2048xf32, #tpu.memory_space<hbm>>) target_semaphore(%arg7 : memref<!tpu.dma_semaphore, #tpu.memory_space<semaphore_mem>>)
      %slice3A_157 = vector.extract_strided_slice %get3A_16 {offsets = [11], sizes = [1], strides = [1]} : vector<16xi32> to vector<1xi32>
      %squeeze3A_158 = vector.extract %slice3A_157[0] : i32 from vector<1xi32>
      %add3A_159 = arith.addi %mul3A_2, %mul3A_14 : i32
      %add3A_160 = arith.constant 11 : i32
      %add3A_161 = arith.addi %add3A_159, %add3A_160 : i32
      %dma_start3A_162 = arith.constant 0 : i32
      %dma_start3A_163 = tpu.memref_slice %arg5[%squeeze3A_158, %dma_start3A_162] : memref<32x2048xf32, #tpu.memory_space<vmem>> -> memref<1x2048xf32, #tpu.memory_space<vmem>>
      %dma_start3A_164 = arith.constant 0 : i32
      %dma_start3A_165 = tpu.memref_slice %arg4[%add3A_161, %dma_start3A_164] : memref<32768x2048xf32, #tpu.memory_space<hbm>> -> memref<1x2048xf32, #tpu.memory_space<hbm>>
      %dma_start3A_166 = arith.constant 0 : i32
      %dma_start3A_167 = tpu.memref_slice %arg4[%add3A_161, %dma_start3A_166] : memref<32768x2048xf32, #tpu.memory_space<hbm>> -> memref<1x2048xf32, #tpu.memory_space<hbm>>
      %dma_start3A_168 = arith.constant 0 : i32
      %dma_start3A_169 = tpu.memref_slice %arg5[%squeeze3A_158, %dma_start3A_168] : memref<32x2048xf32, #tpu.memory_space<vmem>> -> memref<1x2048xf32, #tpu.memory_space<vmem>>
      tpu.enqueue_dma source(%dma_start3A_169 : memref<1x2048xf32, #tpu.memory_space<vmem>>) target(%dma_start3A_167 : memref<1x2048xf32, #tpu.memory_space<hbm>>) target_semaphore(%arg7 : memref<!tpu.dma_semaphore, #tpu.memory_space<semaphore_mem>>)
      %slice3A_170 = vector.extract_strided_slice %get3A_16 {offsets = [12], sizes = [1], strides = [1]} : vector<16xi32> to vector<1xi32>
      %squeeze3A_171 = vector.extract %slice3A_170[0] : i32 from vector<1xi32>
      %add3A_172 = arith.addi %mul3A_2, %mul3A_14 : i32
      %add3A_173 = arith.constant 12 : i32
      %add3A_174 = arith.addi %add3A_172, %add3A_173 : i32
      %dma_start3A_175 = arith.constant 0 : i32
      %dma_start3A_176 = tpu.memref_slice %arg5[%squeeze3A_171, %dma_start3A_175] : memref<32x2048xf32, #tpu.memory_space<vmem>> -> memref<1x2048xf32, #tpu.memory_space<vmem>>
      %dma_start3A_177 = arith.constant 0 : i32
      %dma_start3A_178 = tpu.memref_slice %arg4[%add3A_174, %dma_start3A_177] : memref<32768x2048xf32, #tpu.memory_space<hbm>> -> memref<1x2048xf32, #tpu.memory_space<hbm>>
      %dma_start3A_179 = arith.constant 0 : i32
      %dma_start3A_180 = tpu.memref_slice %arg4[%add3A_174, %dma_start3A_179] : memref<32768x2048xf32, #tpu.memory_space<hbm>> -> memref<1x2048xf32, #tpu.memory_space<hbm>>
      %dma_start3A_181 = arith.constant 0 : i32
      %dma_start3A_182 = tpu.memref_slice %arg5[%squeeze3A_171, %dma_start3A_181] : memref<32x2048xf32, #tpu.memory_space<vmem>> -> memref<1x2048xf32, #tpu.memory_space<vmem>>
      tpu.enqueue_dma source(%dma_start3A_182 : memref<1x2048xf32, #tpu.memory_space<vmem>>) target(%dma_start3A_180 : memref<1x2048xf32, #tpu.memory_space<hbm>>) target_semaphore(%arg7 : memref<!tpu.dma_semaphore, #tpu.memory_space<semaphore_mem>>)
      %slice3A_183 = vector.extract_strided_slice %get3A_16 {offsets = [13], sizes = [1], strides = [1]} : vector<16xi32> to vector<1xi32>
      %squeeze3A_184 = vector.extract %slice3A_183[0] : i32 from vector<1xi32>
      %add3A_185 = arith.addi %mul3A_2, %mul3A_14 : i32
      %add3A_186 = arith.constant 13 : i32
      %add3A_187 = arith.addi %add3A_185, %add3A_186 : i32
      %dma_start3A_188 = arith.constant 0 : i32
      %dma_start3A_189 = tpu.memref_slice %arg5[%squeeze3A_184, %dma_start3A_188] : memref<32x2048xf32, #tpu.memory_space<vmem>> -> memref<1x2048xf32, #tpu.memory_space<vmem>>
      %dma_start3A_190 = arith.constant 0 : i32
      %dma_start3A_191 = tpu.memref_slice %arg4[%add3A_187, %dma_start3A_190] : memref<32768x2048xf32, #tpu.memory_space<hbm>> -> memref<1x2048xf32, #tpu.memory_space<hbm>>
      %dma_start3A_192 = arith.constant 0 : i32
      %dma_start3A_193 = tpu.memref_slice %arg4[%add3A_187, %dma_start3A_192] : memref<32768x2048xf32, #tpu.memory_space<hbm>> -> memref<1x2048xf32, #tpu.memory_space<hbm>>
      %dma_start3A_194 = arith.constant 0 : i32
      %dma_start3A_195 = tpu.memref_slice %arg5[%squeeze3A_184, %dma_start3A_194] : memref<32x2048xf32, #tpu.memory_space<vmem>> -> memref<1x2048xf32, #tpu.memory_space<vmem>>
      tpu.enqueue_dma source(%dma_start3A_195 : memref<1x2048xf32, #tpu.memory_space<vmem>>) target(%dma_start3A_193 : memref<1x2048xf32, #tpu.memory_space<hbm>>) target_semaphore(%arg7 : memref<!tpu.dma_semaphore, #tpu.memory_space<semaphore_mem>>)
      %slice3A_196 = vector.extract_strided_slice %get3A_16 {offsets = [14], sizes = [1], strides = [1]} : vector<16xi32> to vector<1xi32>
      %squeeze3A_197 = vector.extract %slice3A_196[0] : i32 from vector<1xi32>
      %add3A_198 = arith.addi %mul3A_2, %mul3A_14 : i32
      %add3A_199 = arith.constant 14 : i32
      %add3A_200 = arith.addi %add3A_198, %add3A_199 : i32
      %dma_start3A_201 = arith.constant 0 : i32
      %dma_start3A_202 = tpu.memref_slice %arg5[%squeeze3A_197, %dma_start3A_201] : memref<32x2048xf32, #tpu.memory_space<vmem>> -> memref<1x2048xf32, #tpu.memory_space<vmem>>
      %dma_start3A_203 = arith.constant 0 : i32
      %dma_start3A_204 = tpu.memref_slice %arg4[%add3A_200, %dma_start3A_203] : memref<32768x2048xf32, #tpu.memory_space<hbm>> -> memref<1x2048xf32, #tpu.memory_space<hbm>>
      %dma_start3A_205 = arith.constant 0 : i32
      %dma_start3A_206 = tpu.memref_slice %arg4[%add3A_200, %dma_start3A_205] : memref<32768x2048xf32, #tpu.memory_space<hbm>> -> memref<1x2048xf32, #tpu.memory_space<hbm>>
      %dma_start3A_207 = arith.constant 0 : i32
      %dma_start3A_208 = tpu.memref_slice %arg5[%squeeze3A_197, %dma_start3A_207] : memref<32x2048xf32, #tpu.memory_space<vmem>> -> memref<1x2048xf32, #tpu.memory_space<vmem>>
      tpu.enqueue_dma source(%dma_start3A_208 : memref<1x2048xf32, #tpu.memory_space<vmem>>) target(%dma_start3A_206 : memref<1x2048xf32, #tpu.memory_space<hbm>>) target_semaphore(%arg7 : memref<!tpu.dma_semaphore, #tpu.memory_space<semaphore_mem>>)
      %slice3A_209 = vector.extract_strided_slice %get3A_16 {offsets = [15], sizes = [1], strides = [1]} : vector<16xi32> to vector<1xi32>
      %squeeze3A_210 = vector.extract %slice3A_209[0] : i32 from vector<1xi32>
      %add3A_211 = arith.addi %mul3A_2, %mul3A_14 : i32
      %add3A_212 = arith.constant 15 : i32
      %add3A_213 = arith.addi %add3A_211, %add3A_212 : i32
      %dma_start3A_214 = arith.constant 0 : i32
      %dma_start3A_215 = tpu.memref_slice %arg5[%squeeze3A_210, %dma_start3A_214] : memref<32x2048xf32, #tpu.memory_space<vmem>> -> memref<1x2048xf32, #tpu.memory_space<vmem>>
      %dma_start3A_216 = arith.constant 0 : i32
      %dma_start3A_217 = tpu.memref_slice %arg4[%add3A_213, %dma_start3A_216] : memref<32768x2048xf32, #tpu.memory_space<hbm>> -> memref<1x2048xf32, #tpu.memory_space<hbm>>
      %dma_start3A_218 = arith.constant 0 : i32
      %dma_start3A_219 = tpu.memref_slice %arg4[%add3A_213, %dma_start3A_218] : memref<32768x2048xf32, #tpu.memory_space<hbm>> -> memref<1x2048xf32, #tpu.memory_space<hbm>>
      %dma_start3A_220 = arith.constant 0 : i32
      %dma_start3A_221 = tpu.memref_slice %arg5[%squeeze3A_210, %dma_start3A_220] : memref<32x2048xf32, #tpu.memory_space<vmem>> -> memref<1x2048xf32, #tpu.memory_space<vmem>>
      tpu.enqueue_dma source(%dma_start3A_221 : memref<1x2048xf32, #tpu.memory_space<vmem>>) target(%dma_start3A_219 : memref<1x2048xf32, #tpu.memory_space<hbm>>) target_semaphore(%arg7 : memref<!tpu.dma_semaphore, #tpu.memory_space<semaphore_mem>>)
      %ge3A = arith.constant 8 : i32
      %ge3A_222 = arith.cmpi sge, %scan3A_12, %ge3A : i32
      %convert_element_type3A = arith.extui %ge3A_222 : i1 to i32
      %cond3A = arith.constant 0 : i32
      %cond3A_223 = arith.cmpi ne, %convert_element_type3A, %cond3A : i32
      scf.if %cond3A_223 {
        %dma_wait3A = arith.constant 0 : i32
        %dma_wait3A_224 = arith.constant 0 : i32
        %dma_wait3A_225 = tpu.memref_slice %arg5[%dma_wait3A, %dma_wait3A_224] : memref<32x2048xf32, #tpu.memory_space<vmem>> -> memref<16x2048xf32, #tpu.memory_space<vmem>>
        %dma_wait3A_226 = arith.constant 0 : i32
        %dma_wait3A_227 = tpu.memref_slice %arg4[%mul3A_2, %dma_wait3A_226] : memref<32768x2048xf32, #tpu.memory_space<hbm>> -> memref<16x2048xf32, #tpu.memory_space<hbm>>
        %dma_wait3A_228 = arith.constant 0 : i32
        %dma_wait3A_229 = tpu.memref_slice %arg4[%mul3A_2, %dma_wait3A_228] : memref<32768x2048xf32, #tpu.memory_space<hbm>> -> memref<16x2048xf32, #tpu.memory_space<hbm>>
        %dma_wait3A_230 = arith.constant 0 : i32
        %dma_wait3A_231 = arith.constant 0 : i32
        %dma_wait3A_232 = tpu.memref_slice %arg5[%dma_wait3A_230, %dma_wait3A_231] : memref<32x2048xf32, #tpu.memory_space<vmem>> -> memref<16x2048xf32, #tpu.memory_space<vmem>>
        tpu.wait_dma2 semaphore(%arg7 : memref<!tpu.dma_semaphore, #tpu.memory_space<semaphore_mem>>) src(%dma_wait3A_232 : memref<16x2048xf32, #tpu.memory_space<vmem>>) dst(%dma_wait3A_229 : memref<16x2048xf32, #tpu.memory_space<hbm>>)
      } else {
      }
    }
    %scan3A_6 = arith.constant 64 : i32
    %scan3A_7 = arith.constant 0 : i32
    %scan3A_8 = arith.constant 8 : i32
    %scan3A_9 = arith.addi %scan3A_7, %scan3A_8 : i32
    %scan3A_10 = arith.constant 1 : i32
    scf.for %scan3A_12 = %scan3A_7 to %scan3A_9 step %scan3A_10  : i32 {
      %dma_wait3A = arith.constant 0 : i32
      %dma_wait3A_13 = arith.constant 0 : i32
      %dma_wait3A_14 = tpu.memref_slice %arg5[%dma_wait3A, %dma_wait3A_13] : memref<32x2048xf32, #tpu.memory_space<vmem>> -> memref<16x2048xf32, #tpu.memory_space<vmem>>
      %dma_wait3A_15 = arith.constant 0 : i32
      %dma_wait3A_16 = tpu.memref_slice %arg4[%mul3A_2, %dma_wait3A_15] : memref<32768x2048xf32, #tpu.memory_space<hbm>> -> memref<16x2048xf32, #tpu.memory_space<hbm>>
      %dma_wait3A_17 = arith.constant 0 : i32
      %dma_wait3A_18 = tpu.memref_slice %arg4[%mul3A_2, %dma_wait3A_17] : memref<32768x2048xf32, #tpu.memory_space<hbm>> -> memref<16x2048xf32, #tpu.memory_space<hbm>>
      %dma_wait3A_19 = arith.constant 0 : i32
      %dma_wait3A_20 = arith.constant 0 : i32
      %dma_wait3A_21 = tpu.memref_slice %arg5[%dma_wait3A_19, %dma_wait3A_20] : memref<32x2048xf32, #tpu.memory_space<vmem>> -> memref<16x2048xf32, #tpu.memory_space<vmem>>
      tpu.wait_dma2 semaphore(%arg7 : memref<!tpu.dma_semaphore, #tpu.memory_space<semaphore_mem>>) src(%dma_wait3A_21 : memref<16x2048xf32, #tpu.memory_space<vmem>>) dst(%dma_wait3A_18 : memref<16x2048xf32, #tpu.memory_space<hbm>>)
    }
    %scan3A_11 = arith.constant 8 : i32
    return
  }
}

</mosaic_0001>

<sc_bundles>
// kernel: _emb_lookup.3.cloned.1.call-start
scs
__scs_entry_jumppad:
0x0: {  	(pc) =	sbr.rel $0x88, $3  }
0x1: {  	(tag) =	ssettag $0x0;
	lr =	simm.s32 $0x1  }
0x2: {  	[smem:$0x3F9F] =	sst lr;
	_ =	strace $0xD0000000  }
0x3: {  	_ = 	snop  }
0x4: {  	_ = 	snop  }
0x5: {  	_ = 	snop  }
0x6: {  	_ = 	snop  }
0x7: {  	_ = 	snop  }
__scs_overlays_trampoline_lowered:
0x8: {  	[smem:$0x3FAE] =	sst s0  }
0x9: {  	[smem:$0x3FAF] =	sst s1  }
0xa: {  	[smem:$0x3FB0] =	sst s2  }
0xb: {  	[smem:$0x3FB1] =	sst s3  }
0xc: {  	[smem:$0x3FB2] =	sst s4  }
0xd: {  	[smem:$0x3FB3] =	sst s5  }
0xe: {  	[smem:$0x3FB4] =	sst s6  }
0xf: {  	[smem:$0x3FB5] =	sst s7  }
0x10: {  	[smem:$0x3FB6] =	sst s8  }
0x11: {  	[smem:$0x3FB7] =	sst s9;
	s0 =	simm.s32 @!p0 $0x0  }
0x12: {  	s1 =	sld [smem:$0x3F9D];
	s0 =	simm.s32 @p0 $0x1  }
0x13: {  	[smem:$0x3FB8] =	sst s0;
	s0 =	simm.s32 @!p1 $0x0  }
0x14: {  	s2 =	sld [smem:$0x3F9C];
	s0 =	simm.s32 @p1 $0x1  }
0x15: {  	[smem:$0x3FB9] =	sst s0;
	s0 =	simm.s32 @!p2 $0x0  }
0x16: {  	s3 =	sld [smem:$0x3FDB];
	s0 =	simm.s32 @p2 $0x1  }
0x17: {  	s4 =	simm.s32 $0x1BF5;
	[smem:$0x3FBB] =	sst s0  }
0x18: {  	s0 =	sld [smem:$0x3F9E];
	_ =	swait.ge [sflag:s4], $0x0  }
0x19: {  	s7 =	sld [smem:$0x3F9F]  }
0x1a: {  	s8 =	sadd.s32 $0xFFFFE003, lr  }
0x1b: {  	s9 =	sadd.s32 $0xFFFFFEF7, lr;
	s5 =	simm.s32 $0xFFFFFFFF;
	p2 =	slt.u32 s8, $0xFFFFF086  }
0x1c: {  	p1 =	slt.u32 s9, $0xF7A;
	s5 =	simm.s32 @!p2 $0x0  }
0x1d: {  	s5 =	simm.s32 @p1 $0x1;
	p0 =	seq.s32 s7, s2  }
0x1e: {  	s7 =	smul.u32 @!p0 $0xF7A, s2;
	p2 =	seq.s32 @!p0 s5, $0x0  }
0x1f: {  	s9 =	smul.u32 $0xF7A, s1;
	s8 =	simm.s32 @!p0 $0x1BF5;
	p2 =	por !p2, p0  }
0x20: {  	[sflag:s8] =	ssyncset.s32 @!p0 $0xFFFFF086;
	s6 =	sadd.s32 @!p0 s3, s7;
	s7 =	simm.s32 @!p0 $0x108  }
0x21: {  	s3 =	sadd.s32 s3, s9;
	s6 =	sadd.s32 @!p0 $0x88, s6;
	s7 =	simm.s32 @p2 $0x1082  }
0x22: {  	[simem:s7], [sflag:s8] =	dma.local @!p0 [hbm:s6], $0xF7A  }
0x23: {  	s9 =	sor.u32 $0xD0000000, s2;
	s6 =	simm.s32 $0x108;
	_ =	swait.ge @!p0 [sflag:s8], $0x0  }
0x24: {  	s3 =	sadd.s32 $0x88, s3;
	s6 =	simm.s32 @!p1 $0x1082;
	[sflag:s4] =	ssyncset.s32 $0xFFFFF086  }
0x25: {  	[simem:s6], [sflag:s4] =	dma.local [hbm:s3], $0xF7A  }
0x26: {  	[smem:$0x3F9F] =	sst s1;
	(tag) =	ssettag s2;
	_ =	strace s9  }
0x27: {  	s1 =	sld [smem:$0x3FAF]  }
0x28: {  	s2 =	sld [smem:$0x3FB0]  }
0x29: {  	s4 =	sld [smem:$0x3FB2]  }
0x2a: {  	p0 =	seq.s32 s5, $0x0;
	s5 =	sld [smem:$0x3FB3]  }
0x2b: {  	s6 =	sld [smem:$0x3FB4]  }
0x2c: {  	s7 =	sld [smem:$0x3FB5]  }
0x2d: {  	s3 =	simm.s32 $0x108;
	s8 =	sld [smem:$0x3FB6]  }
0x2e: {  	s3 =	simm.s32 @!p0 $0x1082;
	s9 =	sld [smem:$0x3FB7]  }
0x2f: {  	lr =	sadd.s32 s0, s3;
	s0 =	sld [smem:$0x3FAE]  }
0x30: {  	s3 =	sld [smem:$0x3FB1]  }
0x31: {  	[smem:$0x3FBA] =	sst s10  }
0x32: {  	s10 =	sld [smem:$0x3FB8];
	_ =	sdelay $0x3  }
0x33: {  	p0 =	seq.s32 s10, $0x1;
	s10 =	sld [smem:$0x3FBA];
	_ =	sdelay $0x3  }
0x34: {  	[smem:$0x3FBA] =	sst s10  }
0x35: {  	s10 =	sld [smem:$0x3FB9];
	_ =	sdelay $0x3  }
0x36: {  	p1 =	seq.s32 s10, $0x1;
	s10 =	sld [smem:$0x3FBA];
	_ =	sdelay $0x3  }
0x37: {  	[smem:$0x3FBA] =	sst s10  }
0x38: {  	s10 =	sld [smem:$0x3FBB]  }
0x39: {  	_ = 	snop;
	(pc) =	sbr.ind lr, $3  }
0x3a: {  	_ = 	snop  }
0x3b: {  	_ = 	snop  }
0x3c: {  	p2 =	seq.s32 s10, $0x1;
	s10 =	sld [smem:$0x3FBA]  }
0x3d: {  	_ =	shalt  }
0x3e: {  	_ =	shalt  }
0x3f: {  	_ =	shalt  }
0x40: {  	_ =	shalt  }
0x41: {  	_ =	shalt  }
0x42: {  	_ =	shalt  }
0x43: {  	_ =	shalt  }
0x44: {  	_ =	shalt  }
0x45: {  	_ =	shalt  }
0x46: {  	_ =	shalt  }
0x47: {  	_ =	shalt  }
0x48: {  	_ =	shalt  }
0x49: {  	_ =	shalt  }
0x4a: {  	_ =	shalt  }
0x4b: {  	_ =	shalt  }
0x4c: {  	_ =	shalt  }
0x4d: {  	_ =	shalt  }
0x4e: {  	_ =	shalt  }
0x4f: {  	_ =	shalt  }
0x50: {  	_ =	shalt  }
0x51: {  	_ =	shalt  }
0x52: {  	_ =	shalt  }
0x53: {  	_ =	shalt  }
0x54: {  	_ =	shalt  }
0x55: {  	_ =	shalt  }
0x56: {  	_ =	shalt  }
0x57: {  	_ =	shalt  }
0x58: {  	_ =	shalt  }
0x59: {  	_ =	shalt  }
0x5a: {  	_ =	shalt  }
0x5b: {  	_ =	shalt  }
0x5c: {  	_ =	shalt  }
0x5d: {  	_ =	shalt  }
0x5e: {  	_ =	shalt  }
0x5f: {  	_ =	shalt  }
0x60: {  	_ =	shalt  }
0x61: {  	_ =	shalt  }
0x62: {  	_ =	shalt  }
0x63: {  	_ =	shalt  }
0x64: {  	_ =	shalt  }
0x65: {  	_ =	shalt  }
0x66: {  	_ =	shalt  }
0x67: {  	_ =	shalt  }
0x68: {  	_ =	shalt  }
0x69: {  	_ =	shalt  }
0x6a: {  	_ =	shalt  }
0x6b: {  	_ =	shalt  }
0x6c: {  	_ =	shalt  }
0x6d: {  	_ =	shalt  }
0x6e: {  	_ =	shalt  }
0x6f: {  	_ =	shalt  }
0x70: {  	_ =	shalt  }
0x71: {  	_ =	shalt  }
0x72: {  	_ =	shalt  }
0x73: {  	_ =	shalt  }
0x74: {  	_ =	shalt  }
0x75: {  	_ =	shalt  }
0x76: {  	_ =	shalt  }
0x77: {  	_ =	shalt  }
0x78: {  	_ =	shalt  }
0x79: {  	_ =	shalt  }
0x7a: {  	_ =	shalt  }
0x7b: {  	_ =	shalt  }
0x7c: {  	_ =	shalt  }
0x7d: {  	_ =	shalt  }
0x7e: {  	_ =	shalt  }
0x7f: {  	_ =	shalt  }
0x80: {  	_ =	shalt  }
0x81: {  	_ =	shalt  }
0x82: {  	_ =	shalt  }
0x83: {  	_ =	shalt  }
0x84: {  	_ =	shalt  }
0x85: {  	_ =	shalt  }
0x86: {  	_ =	shalt  }
0x87: {  	_ =	shalt  }
.Lfunc_end0:
.L_simem_size_0:
called_computation_lowered:
.L_overlay_start_0:
0x88: {  	s2 =	sld [smem:$0x3FD9]  }
0x89: {  	s3 =	sld [smem:$0x3FFE];
	_ =	sdelay $0x1  }
0x8a: {  	s1 =	srdreg.scid  }
0x8b: {  	s0 =	sand.u32 $0x1, s1  }
0x8c: {  	s18 =	sshll.u32 s0, $0xA;
	s2 =	sadd.s32 s3, s2  }
0x8d: {  	s2 =	sadd.s32 s2, s18  }
0x8e: {  	[smem:$0x3FC6] =	sst s2  }
0x8f: {  	_ = 	snop  }
0x90: {  	s2 =	sld [smem:$0x3FC9]  }
0x91: {  	s19 =	sld [smem:$0x3FC8]  }
0x92: {  	s4 =	sld [smem:$0x3FD0];
	(tm) =	ssettm $0x1  }
0x93: {  	s5 =	sld [smem:$0x3FFB];
	_ =	sdelay $0x3  }
0x94: {  	_ =	strace s5  }
0x95: {  	s5 =	sld [smem:$0x3FFC];
	_ =	sdelay $0x3  }
0x96: {  	_ =	strace s5  }
0x97: {  	s5 =	sld [smem:$0x3FFD];
	_ =	sdelay $0x3  }
0x98: {  	_ =	strace s5  }
0x99: {  	_ =	strace $0x8FFFFFFF  }
0x9a: {  	s20 =	sld [smem:$0x3FDB];
	_ =	sdelay $0x1  }
0x9b: {  	s6 =	simm.s32 $_scs_section_size  }
0x9c: {  	s7 =	simm.s32 $_size__tile_overlayer_lowered;
	s8 =	simm.s32 $_tile_overlayer_lowered  }
0x9d: {  	s23 =	simm.s32 $0x1BFF;
	s22 =	sshll.u32 s8, $0x1;
	s5 =	sadd.s32 s6, s20  }
0x9e: {  	s9 =	simm.s32 $0x0;
	s21 =	sshll.u32 s7, $0x1;
	s7 =	sadd.s32 s22, s5  }
0x9f: {  	[timem:s9], [sflag:s23] =	dma.local [hbm:s7], s21  }
0xa0: {  	_ =	swait.ge [sflag:s23], s21  }
0xa1: {  	s6 =	ssub.s32 $0x0, s21;
	[sflag:s23] =	ssyncset.done $0x0  }
0xa2: {  	[sflag:s23] =	ssyncadd.s32 s6;
	_ =	sdelay $0x1  }
0xa3: {  	s24 =	simm.s32 $0x1B8B  }
0xa4: {  	_ =	swait.ge [sflag:s24], $0x1  }
0xa5: {  	[sflag:s24] =	ssyncset.done $0x0  }
0xa6: {  	s25 =	simm.s32 $0x1B8E;
	[sflag:s24] =	ssyncadd.s32 $0xFFFFFFFF  }
0xa7: {  	s26 =	simm.s32 $execute0_lowered;
	[smem:$0x3FD2] =	sst s25  }
0xa8: {  	s6 =	sshll.u32 s26, $0x1;
	_ =	strace $0x80000046;
	[dreg:$0x1] =	wrdreg $0xFFFFFFFF  }
0xa9: {  	s28 =	simm.s32 $_size_execute0_lowered;
	s5 =	sadd.s32 s5, s6;
	[dreg:$0x0] =	wrdreg $0x0  }
0xaa: {  	s6 =	sshll.u32 s28, $0x1;
	[dreg:$0x2] =	wrdreg s5  }
0xab: {  	[dreg:$0x3] =	wrdreg s6  }
0xac: {  	[dreg:$0x4] =	wrdreg $0xC0  }
0xad: {  	_ =	task [dreg:s9], $0x5FFFF  }
0xae: {  	[dreg:$0x1] =	wrdreg $0xFFFFFFFF  }
0xaf: {  	[dreg:$0x0] =	wrdreg $0x60  }
0xb0: {  	[dreg:$0x2] =	wrdreg s19  }
0xb1: {  	[dreg:$0x3] =	wrdreg s2  }
0xb2: {  	[dreg:$0x4] =	wrdreg s4  }
0xb3: {  	[dreg:$0x5] =	wrdreg $0x9  }
0xb4: {  	_ =	task.clear_ibuf [dreg:s9], $0x6FFFF;
	_ =	strace $0x90000046  }
0xb5: {  	s29 =	simm.s32 $0x9;
	_ =	strace $0x80000048  }
0xb6: {  	_ =	swait.ge [sflag:s29], $0x1  }
0xb7: {  	[sflag:s29] =	ssyncadd.s32 $0xFFFFFFFF  }
0xb8: {  	_ =	strace $0x90000048  }
0xb9: {  	_ =	sfence  }
0xba: {  	s30 =	sld [smem:$0x0];
	_ =	sdelay $0x2  }
0xbb: {  	s31 =	sshll.u32 s1, $0xD;
	s1 =	sshrl.u32 s1, $0x2  }
0xbc: {  	s3 =	sand.u32 $0x4000, s31;
	s1 =	sadd.s32 s1, s30  }
0xbd: {  	s0 =	sor.u32 s3, s0;
	s1 =	sshll.u32 s1, $0x11  }
0xbe: {  	s0 =	sor.u32 s1, s0  }
0xbf: {  	s0 =	sadd.s32 $0x8F2B, s0  }
0xc0: {  	[sflag:s0] =	ssyncadd.remote.s32 $0x1  }
0xc1: {  	_ =	sfence.sel $0xFFFF  }
0xc2: {  	[dreg:$0x0] =	wrdreg $0xFFFFFFFF;
	(pc) =	sbr.abs _section_cstart, $3  }
0xc3: {  	[dreg:$0x1] =	wrdreg $0xFFFFFFFF  }
0xc4: {  	_ =	task.clear_ibuf [dreg:s9], $0x2FFFF;
	_ =	strace $0x9FFFFFFF  }
0xc5: {  	(tm) =	ssettm $0x7FFFFFFF  }
tec
execute0_lowered:
.L_overlay_start_1:
0x0: {  	(tag) =	ssettag $0x1  }
0x1: {  	s4 =	rddreg [dreg:$0x1]  }
0x2: {  	s5 =	rddreg [dreg:$0x2];
	s3 =	simm.s32 $0x0;
	s6 =	srdreg.scid  }
0x3: {  	s0 =	stileid.u32;
	[smem:$0x7FF] =	sst s3;
	s6 =	sand.u32 $0x1, s6  }
0x4: {  	s7 =	sshll.u32 s0, $0xB;
	s30 =	sshll.u32 s0, $0x13;
	_ =	strace $0x80000047  }
0x5: {  	s8 =	sshll.u32 s6, $0xA;
	s9 =	ssub.s32 $0x2, s6;
	s5 =	sadd.s32 s30, s5  }
0x6: {  	s6 =	sshll.u32 s6, $0x12;
	s7 =	sor.u32 s8, s7;
	s31 =	sshrl.u32 s9, $0x1  }
0x7: {  	s6 =	sadd.s32 s6, s5;
	s8 =	ssub.s32 s9, s31;
	s7 =	sshrl.u32 s7, $0x3  }
0x8: {  	[dreg:$0x4] =	wrdreg s6;
	s6 =	simm.s32 $0x2;
	s4 =	sadd.s32 s4, s7  }
0x9: {  	s5 =	smax.u32 s8, $0x1;
	s7 =	simm.s32 $0x1;
	s8 =	simm.s32 $0x0  }
.LBB2_1:
0xa: {  	s0 =	rddreg [dreg:$0x0]  }
0xb: {  	[tilespmem:s3], [sflag:$0x2] =	stream.linear.gather [hbm4b:s0+s3], $0x10000, $0x38;
	[tilespmem:$0x10400] =	vst v63  }
0xc: {  	_ =	swait.ge [sflag:s6], $0x10000  }
0xd: {  	[sflag:s6] =	ssyncset.done $0x0  }
0xe: {  	s9 =	simm.s32 $0x10000;
	[sflag:s6] =	ssyncadd.s32 $0xFFFF0000  }
0xf: {  	[tilespmem:s9], [sflag:$0x2] =	stream.linear.gather [hbm4b:s4+s3], $0x400, $0x38;
	[tilespmem:$0x10400] =	vst v63  }
0x10: {  	_ =	swait.ge [sflag:s6], $0x400  }
0x11: {  	[sflag:s6] =	ssyncset.done $0x0  }
0x12: {  	[sflag:s6] =	ssyncadd.s32 $0xFFFFFC00  }
0x13: {  	v0 =	vld [tilespmem:s9+$0x0];
	_ =	sdelay $0x4  }
0x14: {  	(v2sf) =	vpush v0, $0x0;
	_ =	sdelay $0xe  }
0x15: {  	s10 =	spop (v2sf)  }
0x16: {  	s11 =	sshll.u32 s10, $0xB;
	s10 =	sshll.u32 s10, $0x7  }
0x17: {  	s14 =	rddreg [dreg:$0x4];
	s11 =	sand.u32 $0xFFFFC000, s11;
	s10 =	sand.u32 $0x380, s10  }
0x18: {  	s9 =	sadd.s32 $0x0, s14;
	s10 =	sor.u32 s10, s11  }
0x19: {  	[hbm4b:s9+s3] =	stream.linear.scatter [tilespmem:s10], [sflag:$0x1], $0x80, $0x38;
	[tilespmem:$0x10400] =	vst v63  }
0x1a: {  	s12 =	sadd.s32 $0x80, s9;
	s11 =	sor.u32 $0x400, s10  }
0x1b: {  	[hbm4b:s12+s3] =	stream.linear.scatter [tilespmem:s11], [sflag:$0x1], $0x80, $0x38;
	[tilespmem:$0x10400] =	vst v63  }
0x1c: {  	s16 =	sadd.s32 $0x100, s9;
	s15 =	sor.u32 $0x800, s10  }
0x1d: {  	[hbm4b:s16+s3] =	stream.linear.scatter [tilespmem:s15], [sflag:$0x1], $0x80, $0x38;
	[tilespmem:$0x10400] =	vst v63  }
0x1e: {  	s18 =	sadd.s32 $0x180, s9;
	s17 =	sor.u32 $0xC00, s10  }
0x1f: {  	[hbm4b:s18+s3] =	stream.linear.scatter [tilespmem:s17], [sflag:$0x1], $0x80, $0x38;
	[tilespmem:$0x10400] =	vst v63  }
0x20: {  	s20 =	sadd.s32 $0x200, s9;
	s19 =	sor.u32 $0x1000, s10  }
0x21: {  	[hbm4b:s20+s3] =	stream.linear.scatter [tilespmem:s19], [sflag:$0x1], $0x80, $0x38;
	[tilespmem:$0x10400] =	vst v63  }
0x22: {  	s22 =	sadd.s32 $0x280, s9;
	s21 =	sor.u32 $0x1400, s10  }
0x23: {  	(v2sf) =	vpush v0, $0x1;
	[hbm4b:s22+s3] =	stream.linear.scatter [tilespmem:s21], [sflag:$0x1], $0x80, $0x38;
	[tilespmem:$0x10400] =	vst v63  }
0x24: {  	s24 =	sadd.s32 $0x300, s9;
	s23 =	sor.u32 $0x1800, s10  }
0x25: {  	[hbm4b:s24+s3] =	stream.linear.scatter [tilespmem:s23], [sflag:$0x1], $0x80, $0x38;
	[tilespmem:$0x10400] =	vst v63  }
0x26: {  	s26 =	sadd.s32 $0x380, s9;
	s25 =	sor.u32 $0x1C00, s10  }
0x27: {  	[hbm4b:s26+s3] =	stream.linear.scatter [tilespmem:s25], [sflag:$0x1], $0x80, $0x38;
	[tilespmem:$0x10400] =	vst v63  }
0x28: {  	s29 =	sadd.s32 $0x400, s9;
	s28 =	sor.u32 $0x2000, s10  }
0x29: {  	[hbm4b:s29+s3] =	stream.linear.scatter [tilespmem:s28], [sflag:$0x1], $0x80, $0x38;
	[tilespmem:$0x10400] =	vst v63  }
0x2a: {  	s31 =	sadd.s32 $0x480, s9;
	s30 =	sor.u32 $0x2400, s10  }
0x2b: {  	[hbm4b:s31+s3] =	stream.linear.scatter [tilespmem:s30], [sflag:$0x1], $0x80, $0x38;
	[tilespmem:$0x10400] =	vst v63  }
0x2c: {  	s1 =	sadd.s32 $0x500, s9;
	s0 =	sor.u32 $0x2800, s10  }
0x2d: {  	[hbm4b:s1+s3] =	stream.linear.scatter [tilespmem:s0], [sflag:$0x1], $0x80, $0x38;
	[tilespmem:$0x10400] =	vst v63  }
0x2e: {  	s13 =	sadd.s32 $0x580, s9;
	s14 =	sadd.s32 $0x600, s9;
	s15 =	sor.u32 $0x2C00, s10  }
0x2f: {  	[hbm4b:s13+s3] =	stream.linear.scatter [tilespmem:s15], [sflag:$0x1], $0x80, $0x38;
	[tilespmem:$0x10400] =	vst v63  }
0x30: {  	s17 =	sor.u32 $0x3000, s10;
	s18 =	sor.u32 $0x3400, s10;
	s19 =	sadd.s32 $0x680, s9  }
0x31: {  	[hbm4b:s14+s3] =	stream.linear.scatter [tilespmem:s17], [sflag:$0x1], $0x80, $0x38;
	[tilespmem:$0x10400] =	vst v63  }
0x32: {  	s20 =	sor.u32 $0x3800, s10;
	s10 =	sor.u32 $0x3C00, s10;
	s2 =	spop (v2sf)  }
0x33: {  	[hbm4b:s19+s3] =	stream.linear.scatter [tilespmem:s18], [sflag:$0x1], $0x80, $0x38;
	[tilespmem:$0x10400] =	vst v63  }
0x34: {  	s21 =	sadd.s32 $0x700, s9;
	s16 =	sshll.u32 s2, $0xB;
	s11 =	sshll.u32 s2, $0x7  }
0x35: {  	[hbm4b:s21+s3] =	stream.linear.scatter [tilespmem:s20], [sflag:$0x1], $0x80, $0x38;
	[tilespmem:$0x10400] =	vst v63  }
0x36: {  	s22 =	sadd.s32 $0x780, s9;
	s12 =	sand.u32 $0xFFFFC000, s16;
	s11 =	sand.u32 $0x380, s11  }
0x37: {  	[hbm4b:s22+s3] =	stream.linear.scatter [tilespmem:s10], [sflag:$0x1], $0x80, $0x38;
	[tilespmem:$0x10400] =	vst v63  }
0x38: {  	s23 =	sadd.s32 $0x10, s9;
	s10 =	sor.u32 s11, s12  }
0x39: {  	[hbm4b:s23+s3] =	stream.linear.scatter [tilespmem:s10], [sflag:$0x1], $0x80, $0x38;
	[tilespmem:$0x10400] =	vst v63  }
0x3a: {  	s25 =	sadd.s32 $0x90, s9;
	s24 =	sor.u32 $0x400, s10  }
0x3b: {  	[hbm4b:s25+s3] =	stream.linear.scatter [tilespmem:s24], [sflag:$0x1], $0x80, $0x38;
	[tilespmem:$0x10400] =	vst v63  }
0x3c: {  	s28 =	sadd.s32 $0x110, s9;
	s26 =	sor.u32 $0x800, s10  }
0x3d: {  	[hbm4b:s28+s3] =	stream.linear.scatter [tilespmem:s26], [sflag:$0x1], $0x80, $0x38;
	[tilespmem:$0x10400] =	vst v63  }
0x3e: {  	s30 =	sadd.s32 $0x190, s9;
	s29 =	sor.u32 $0xC00, s10  }
0x3f: {  	(v2sf) =	vpush v0, $0x2;
	[hbm4b:s30+s3] =	stream.linear.scatter [tilespmem:s29], [sflag:$0x1], $0x80, $0x38;
	[tilespmem:$0x10400] =	vst v63  }
0x40: {  	s0 =	sadd.s32 $0x210, s9;
	s31 =	sor.u32 $0x1000, s10  }
0x41: {  	[hbm4b:s0+s3] =	stream.linear.scatter [tilespmem:s31], [sflag:$0x1], $0x80, $0x38;
	[tilespmem:$0x10400] =	vst v63  }
0x42: {  	s2 =	sadd.s32 $0x290, s9;
	s1 =	sor.u32 $0x1400, s10  }
0x43: {  	[hbm4b:s2+s3] =	stream.linear.scatter [tilespmem:s1], [sflag:$0x1], $0x80, $0x38;
	[tilespmem:$0x10400] =	vst v63  }
0x44: {  	s14 =	sadd.s32 $0x310, s9;
	s13 =	sor.u32 $0x1800, s10  }
0x45: {  	[hbm4b:s14+s3] =	stream.linear.scatter [tilespmem:s13], [sflag:$0x1], $0x80, $0x38;
	[tilespmem:$0x10400] =	vst v63  }
0x46: {  	s16 =	sadd.s32 $0x390, s9;
	s15 =	sor.u32 $0x1C00, s10  }
0x47: {  	[hbm4b:s16+s3] =	stream.linear.scatter [tilespmem:s15], [sflag:$0x1], $0x80, $0x38;
	[tilespmem:$0x10400] =	vst v63  }
0x48: {  	s18 =	sadd.s32 $0x410, s9;
	s17 =	sor.u32 $0x2000, s10  }
0x49: {  	[hbm4b:s18+s3] =	stream.linear.scatter [tilespmem:s17], [sflag:$0x1], $0x80, $0x38;
	[tilespmem:$0x10400] =	vst v63  }
0x4a: {  	s20 =	sadd.s32 $0x490, s9;
	s19 =	sor.u32 $0x2400, s10  }
0x4b: {  	[hbm4b:s20+s3] =	stream.linear.scatter [tilespmem:s19], [sflag:$0x1], $0x80, $0x38;
	[tilespmem:$0x10400] =	vst v63  }
0x4c: {  	s22 =	sadd.s32 $0x510, s9;
	s21 =	sor.u32 $0x2800, s10  }
0x4d: {  	[hbm4b:s22+s3] =	stream.linear.scatter [tilespmem:s21], [sflag:$0x1], $0x80, $0x38;
	[tilespmem:$0x10400] =	vst v63  }
0x4e: {  	s23 =	spop (v2sf);
	s24 =	sor.u32 $0x2C00, s10;
	s25 =	sadd.s32 $0x590, s9  }
0x4f: {  	[hbm4b:s25+s3] =	stream.linear.scatter [tilespmem:s24], [sflag:$0x1], $0x80, $0x38;
	[tilespmem:$0x10400] =	vst v63  }
0x50: {  	s11 =	sshll.u32 s23, $0x7;
	s28 =	sor.u32 $0x3000, s10;
	s29 =	sadd.s32 $0x610, s9  }
0x51: {  	[hbm4b:s29+s3] =	stream.linear.scatter [tilespmem:s28], [sflag:$0x1], $0x80, $0x38;
	[tilespmem:$0x10400] =	vst v63  }
0x52: {  	s11 =	sand.u32 $0x380, s11;
	s30 =	sor.u32 $0x3400, s10;
	s31 =	sadd.s32 $0x690, s9  }
0x53: {  	[hbm4b:s31+s3] =	stream.linear.scatter [tilespmem:s30], [sflag:$0x1], $0x80, $0x38;
	[tilespmem:$0x10400] =	vst v63  }
0x54: {  	s26 =	sshll.u32 s23, $0xB;
	s0 =	sor.u32 $0x3800, s10;
	s1 =	sadd.s32 $0x710, s9  }
0x55: {  	[hbm4b:s1+s3] =	stream.linear.scatter [tilespmem:s0], [sflag:$0x1], $0x80, $0x38;
	[tilespmem:$0x10400] =	vst v63  }
0x56: {  	s12 =	sand.u32 $0xFFFFC000, s26;
	s10 =	sor.u32 $0x3C00, s10;
	s2 =	sadd.s32 $0x790, s9  }
0x57: {  	[hbm4b:s2+s3] =	stream.linear.scatter [tilespmem:s10], [sflag:$0x1], $0x80, $0x38;
	[tilespmem:$0x10400] =	vst v63  }
0x58: {  	s10 =	sor.u32 s11, s12;
	s12 =	sadd.s32 $0x20, s9  }
0x59: {  	[hbm4b:s12+s3] =	stream.linear.scatter [tilespmem:s10], [sflag:$0x1], $0x80, $0x38;
	[tilespmem:$0x10400] =	vst v63  }
0x5a: {  	s14 =	sadd.s32 $0xA0, s9;
	s13 =	sor.u32 $0x400, s10  }
0x5b: {  	[hbm4b:s14+s3] =	stream.linear.scatter [tilespmem:s13], [sflag:$0x1], $0x80, $0x38;
	[tilespmem:$0x10400] =	vst v63  }
0x5c: {  	s16 =	sadd.s32 $0x120, s9;
	s15 =	sor.u32 $0x800, s10  }
0x5d: {  	[hbm4b:s16+s3] =	stream.linear.scatter [tilespmem:s15], [sflag:$0x1], $0x80, $0x38;
	[tilespmem:$0x10400] =	vst v63  }
0x5e: {  	s18 =	sadd.s32 $0x1A0, s9;
	s17 =	sor.u32 $0xC00, s10  }
0x5f: {  	(v2sf) =	vpush v0, $0x3;
	[hbm4b:s18+s3] =	stream.linear.scatter [tilespmem:s17], [sflag:$0x1], $0x80, $0x38;
	[tilespmem:$0x10400] =	vst v63  }
0x60: {  	s20 =	sadd.s32 $0x220, s9;
	s19 =	sor.u32 $0x1000, s10  }
0x61: {  	[hbm4b:s20+s3] =	stream.linear.scatter [tilespmem:s19], [sflag:$0x1], $0x80, $0x38;
	[tilespmem:$0x10400] =	vst v63  }
0x62: {  	s22 =	sadd.s32 $0x2A0, s9;
	s21 =	sor.u32 $0x1400, s10  }
0x63: {  	[hbm4b:s22+s3] =	stream.linear.scatter [tilespmem:s21], [sflag:$0x1], $0x80, $0x38;
	[tilespmem:$0x10400] =	vst v63  }
0x64: {  	s24 =	sadd.s32 $0x320, s9;
	s23 =	sor.u32 $0x1800, s10  }
0x65: {  	[hbm4b:s24+s3] =	stream.linear.scatter [tilespmem:s23], [sflag:$0x1], $0x80, $0x38;
	[tilespmem:$0x10400] =	vst v63  }
0x66: {  	s26 =	sadd.s32 $0x3A0, s9;
	s25 =	sor.u32 $0x1C00, s10  }
0x67: {  	[hbm4b:s26+s3] =	stream.linear.scatter [tilespmem:s25], [sflag:$0x1], $0x80, $0x38;
	[tilespmem:$0x10400] =	vst v63  }
0x68: {  	s29 =	sadd.s32 $0x420, s9;
	s28 =	sor.u32 $0x2000, s10  }
0x69: {  	[hbm4b:s29+s3] =	stream.linear.scatter [tilespmem:s28], [sflag:$0x1], $0x80, $0x38;
	[tilespmem:$0x10400] =	vst v63  }
0x6a: {  	s31 =	sadd.s32 $0x4A0, s9;
	s30 =	sor.u32 $0x2400, s10  }
0x6b: {  	[hbm4b:s31+s3] =	stream.linear.scatter [tilespmem:s30], [sflag:$0x1], $0x80, $0x38;
	[tilespmem:$0x10400] =	vst v63  }
0x6c: {  	s1 =	sadd.s32 $0x520, s9;
	s0 =	sor.u32 $0x2800, s10  }
0x6d: {  	[hbm4b:s1+s3] =	stream.linear.scatter [tilespmem:s0], [sflag:$0x1], $0x80, $0x38;
	[tilespmem:$0x10400] =	vst v63  }
0x6e: {  	s2 =	spop (v2sf);
	s13 =	sor.u32 $0x2C00, s10;
	s14 =	sadd.s32 $0x5A0, s9  }
0x6f: {  	[hbm4b:s14+s3] =	stream.linear.scatter [tilespmem:s13], [sflag:$0x1], $0x80, $0x38;
	[tilespmem:$0x10400] =	vst v63  }
0x70: {  	s11 =	sshll.u32 s2, $0x7;
	s16 =	sor.u32 $0x3000, s10;
	s17 =	sadd.s32 $0x620, s9  }
0x71: {  	[hbm4b:s17+s3] =	stream.linear.scatter [tilespmem:s16], [sflag:$0x1], $0x80, $0x38;
	[tilespmem:$0x10400] =	vst v63  }
0x72: {  	s11 =	sand.u32 $0x380, s11;
	s18 =	sor.u32 $0x3400, s10;
	s19 =	sadd.s32 $0x6A0, s9  }
0x73: {  	[hbm4b:s19+s3] =	stream.linear.scatter [tilespmem:s18], [sflag:$0x1], $0x80, $0x38;
	[tilespmem:$0x10400] =	vst v63  }
0x74: {  	s15 =	sshll.u32 s2, $0xB;
	s20 =	sor.u32 $0x3800, s10;
	s21 =	sadd.s32 $0x720, s9  }
0x75: {  	[hbm4b:s21+s3] =	stream.linear.scatter [tilespmem:s20], [sflag:$0x1], $0x80, $0x38;
	[tilespmem:$0x10400] =	vst v63  }
0x76: {  	s12 =	sand.u32 $0xFFFFC000, s15;
	s10 =	sor.u32 $0x3C00, s10;
	s22 =	sadd.s32 $0x7A0, s9  }
0x77: {  	[hbm4b:s22+s3] =	stream.linear.scatter [tilespmem:s10], [sflag:$0x1], $0x80, $0x38;
	[tilespmem:$0x10400] =	vst v63  }
0x78: {  	s23 =	sadd.s32 $0x30, s9;
	s10 =	sor.u32 s11, s12  }
0x79: {  	[hbm4b:s23+s3] =	stream.linear.scatter [tilespmem:s10], [sflag:$0x1], $0x80, $0x38;
	[tilespmem:$0x10400] =	vst v63  }
0x7a: {  	s25 =	sadd.s32 $0xB0, s9;
	s24 =	sor.u32 $0x400, s10  }
0x7b: {  	[hbm4b:s25+s3] =	stream.linear.scatter [tilespmem:s24], [sflag:$0x1], $0x80, $0x38;
	[tilespmem:$0x10400] =	vst v63  }
0x7c: {  	s28 =	sadd.s32 $0x130, s9;
	s26 =	sor.u32 $0x800, s10  }
0x7d: {  	[hbm4b:s28+s3] =	stream.linear.scatter [tilespmem:s26], [sflag:$0x1], $0x80, $0x38;
	[tilespmem:$0x10400] =	vst v63  }
0x7e: {  	s30 =	sadd.s32 $0x1B0, s9;
	s29 =	sor.u32 $0xC00, s10  }
0x7f: {  	(v2sf) =	vpush v0, $0x4;
	[hbm4b:s30+s3] =	stream.linear.scatter [tilespmem:s29], [sflag:$0x1], $0x80, $0x38;
	[tilespmem:$0x10400] =	vst v63  }
0x80: {  	s0 =	sadd.s32 $0x230, s9;
	s31 =	sor.u32 $0x1000, s10  }
0x81: {  	[hbm4b:s0+s3] =	stream.linear.scatter [tilespmem:s31], [sflag:$0x1], $0x80, $0x38;
	[tilespmem:$0x10400] =	vst v63  }
0x82: {  	s2 =	sadd.s32 $0x2B0, s9;
	s1 =	sor.u32 $0x1400, s10  }
0x83: {  	[hbm4b:s2+s3] =	stream.linear.scatter [tilespmem:s1], [sflag:$0x1], $0x80, $0x38;
	[tilespmem:$0x10400] =	vst v63  }
0x84: {  	s14 =	sadd.s32 $0x330, s9;
	s13 =	sor.u32 $0x1800, s10  }
0x85: {  	[hbm4b:s14+s3] =	stream.linear.scatter [tilespmem:s13], [sflag:$0x1], $0x80, $0x38;
	[tilespmem:$0x10400] =	vst v63  }
0x86: {  	s16 =	sadd.s32 $0x3B0, s9;
	s15 =	sor.u32 $0x1C00, s10  }
0x87: {  	[hbm4b:s16+s3] =	stream.linear.scatter [tilespmem:s15], [sflag:$0x1], $0x80, $0x38;
	[tilespmem:$0x10400] =	vst v63  }
0x88: {  	s18 =	sadd.s32 $0x430, s9;
	s17 =	sor.u32 $0x2000, s10  }
0x89: {  	[hbm4b:s18+s3] =	stream.linear.scatter [tilespmem:s17], [sflag:$0x1], $0x80, $0x38;
	[tilespmem:$0x10400] =	vst v63  }
0x8a: {  	s20 =	sadd.s32 $0x4B0, s9;
	s19 =	sor.u32 $0x2400, s10  }
0x8b: {  	[hbm4b:s20+s3] =	stream.linear.scatter [tilespmem:s19], [sflag:$0x1], $0x80, $0x38;
	[tilespmem:$0x10400] =	vst v63  }
0x8c: {  	s22 =	sadd.s32 $0x530, s9;
	s21 =	sor.u32 $0x2800, s10  }
0x8d: {  	[hbm4b:s22+s3] =	stream.linear.scatter [tilespmem:s21], [sflag:$0x1], $0x80, $0x38;
	[tilespmem:$0x10400] =	vst v63  }
0x8e: {  	s23 =	spop (v2sf);
	s24 =	sor.u32 $0x2C00, s10;
	s25 =	sadd.s32 $0x5B0, s9  }
0x8f: {  	[hbm4b:s25+s3] =	stream.linear.scatter [tilespmem:s24], [sflag:$0x1], $0x80, $0x38;
	[tilespmem:$0x10400] =	vst v63  }
0x90: {  	s11 =	sshll.u32 s23, $0x7;
	s28 =	sor.u32 $0x3000, s10;
	s29 =	sadd.s32 $0x630, s9  }
0x91: {  	[hbm4b:s29+s3] =	stream.linear.scatter [tilespmem:s28], [sflag:$0x1], $0x80, $0x38;
	[tilespmem:$0x10400] =	vst v63  }
0x92: {  	s11 =	sand.u32 $0x380, s11;
	s30 =	sor.u32 $0x3400, s10;
	s31 =	sadd.s32 $0x6B0, s9  }
0x93: {  	[hbm4b:s31+s3] =	stream.linear.scatter [tilespmem:s30], [sflag:$0x1], $0x80, $0x38;
	[tilespmem:$0x10400] =	vst v63  }
0x94: {  	s26 =	sshll.u32 s23, $0xB;
	s0 =	sor.u32 $0x3800, s10;
	s1 =	sadd.s32 $0x730, s9  }
0x95: {  	[hbm4b:s1+s3] =	stream.linear.scatter [tilespmem:s0], [sflag:$0x1], $0x80, $0x38;
	[tilespmem:$0x10400] =	vst v63  }
0x96: {  	s12 =	sand.u32 $0xFFFFC000, s26;
	s10 =	sor.u32 $0x3C00, s10;
	s2 =	sadd.s32 $0x7B0, s9  }
0x97: {  	[hbm4b:s2+s3] =	stream.linear.scatter [tilespmem:s10], [sflag:$0x1], $0x80, $0x38;
	[tilespmem:$0x10400] =	vst v63  }
0x98: {  	s10 =	sor.u32 s11, s12;
	s12 =	sadd.s32 $0x40, s9  }
0x99: {  	[hbm4b:s12+s3] =	stream.linear.scatter [tilespmem:s10], [sflag:$0x1], $0x80, $0x38;
	[tilespmem:$0x10400] =	vst v63  }
0x9a: {  	s14 =	sadd.s32 $0xC0, s9;
	s13 =	sor.u32 $0x400, s10  }
0x9b: {  	[hbm4b:s14+s3] =	stream.linear.scatter [tilespmem:s13], [sflag:$0x1], $0x80, $0x38;
	[tilespmem:$0x10400] =	vst v63  }
0x9c: {  	s16 =	sadd.s32 $0x140, s9;
	s15 =	sor.u32 $0x800, s10  }
0x9d: {  	[hbm4b:s16+s3] =	stream.linear.scatter [tilespmem:s15], [sflag:$0x1], $0x80, $0x38;
	[tilespmem:$0x10400] =	vst v63  }
0x9e: {  	s18 =	sadd.s32 $0x1C0, s9;
	s17 =	sor.u32 $0xC00, s10  }
0x9f: {  	(v2sf) =	vpush v0, $0x5;
	[hbm4b:s18+s3] =	stream.linear.scatter [tilespmem:s17], [sflag:$0x1], $0x80, $0x38;
	[tilespmem:$0x10400] =	vst v63  }
0xa0: {  	s20 =	sadd.s32 $0x240, s9;
	s19 =	sor.u32 $0x1000, s10  }
0xa1: {  	[hbm4b:s20+s3] =	stream.linear.scatter [tilespmem:s19], [sflag:$0x1], $0x80, $0x38;
	[tilespmem:$0x10400] =	vst v63  }
0xa2: {  	s22 =	sadd.s32 $0x2C0, s9;
	s21 =	sor.u32 $0x1400, s10  }
0xa3: {  	[hbm4b:s22+s3] =	stream.linear.scatter [tilespmem:s21], [sflag:$0x1], $0x80, $0x38;
	[tilespmem:$0x10400] =	vst v63  }
0xa4: {  	s24 =	sadd.s32 $0x340, s9;
	s23 =	sor.u32 $0x1800, s10  }
0xa5: {  	[hbm4b:s24+s3] =	stream.linear.scatter [tilespmem:s23], [sflag:$0x1], $0x80, $0x38;
	[tilespmem:$0x10400] =	vst v63  }
0xa6: {  	s26 =	sadd.s32 $0x3C0, s9;
	s25 =	sor.u32 $0x1C00, s10  }
0xa7: {  	[hbm4b:s26+s3] =	stream.linear.scatter [tilespmem:s25], [sflag:$0x1], $0x80, $0x38;
	[tilespmem:$0x10400] =	vst v63  }
0xa8: {  	s29 =	sadd.s32 $0x440, s9;
	s28 =	sor.u32 $0x2000, s10  }
0xa9: {  	[hbm4b:s29+s3] =	stream.linear.scatter [tilespmem:s28], [sflag:$0x1], $0x80, $0x38;
	[tilespmem:$0x10400] =	vst v63  }
0xaa: {  	s31 =	sadd.s32 $0x4C0, s9;
	s30 =	sor.u32 $0x2400, s10  }
0xab: {  	[hbm4b:s31+s3] =	stream.linear.scatter [tilespmem:s30], [sflag:$0x1], $0x80, $0x38;
	[tilespmem:$0x10400] =	vst v63  }
0xac: {  	s1 =	sadd.s32 $0x540, s9;
	s0 =	sor.u32 $0x2800, s10  }
0xad: {  	[hbm4b:s1+s3] =	stream.linear.scatter [tilespmem:s0], [sflag:$0x1], $0x80, $0x38;
	[tilespmem:$0x10400] =	vst v63  }
0xae: {  	s2 =	spop (v2sf);
	s13 =	sor.u32 $0x2C00, s10;
	s14 =	sadd.s32 $0x5C0, s9  }
0xaf: {  	[hbm4b:s14+s3] =	stream.linear.scatter [tilespmem:s13], [sflag:$0x1], $0x80, $0x38;
	[tilespmem:$0x10400] =	vst v63  }
0xb0: {  	s11 =	sshll.u32 s2, $0x7;
	s16 =	sor.u32 $0x3000, s10;
	s17 =	sadd.s32 $0x640, s9  }
0xb1: {  	[hbm4b:s17+s3] =	stream.linear.scatter [tilespmem:s16], [sflag:$0x1], $0x80, $0x38;
	[tilespmem:$0x10400] =	vst v63  }
0xb2: {  	s11 =	sand.u32 $0x380, s11;
	s18 =	sor.u32 $0x3400, s10;
	s19 =	sadd.s32 $0x6C0, s9  }
0xb3: {  	[hbm4b:s19+s3] =	stream.linear.scatter [tilespmem:s18], [sflag:$0x1], $0x80, $0x38;
	[tilespmem:$0x10400] =	vst v63  }
0xb4: {  	s15 =	sshll.u32 s2, $0xB;
	s20 =	sor.u32 $0x3800, s10;
	s21 =	sadd.s32 $0x740, s9  }
0xb5: {  	[hbm4b:s21+s3] =	stream.linear.scatter [tilespmem:s20], [sflag:$0x1], $0x80, $0x38;
	[tilespmem:$0x10400] =	vst v63  }
0xb6: {  	s12 =	sand.u32 $0xFFFFC000, s15;
	s10 =	sor.u32 $0x3C00, s10;
	s22 =	sadd.s32 $0x7C0, s9  }
0xb7: {  	[hbm4b:s22+s3] =	stream.linear.scatter [tilespmem:s10], [sflag:$0x1], $0x80, $0x38;
	[tilespmem:$0x10400] =	vst v63  }
0xb8: {  	s23 =	sadd.s32 $0x50, s9;
	s10 =	sor.u32 s11, s12  }
0xb9: {  	[hbm4b:s23+s3] =	stream.linear.scatter [tilespmem:s10], [sflag:$0x1], $0x80, $0x38;
	[tilespmem:$0x10400] =	vst v63  }
0xba: {  	s25 =	sadd.s32 $0xD0, s9;
	s24 =	sor.u32 $0x400, s10  }
0xbb: {  	[hbm4b:s25+s3] =	stream.linear.scatter [tilespmem:s24], [sflag:$0x1], $0x80, $0x38;
	[tilespmem:$0x10400] =	vst v63  }
0xbc: {  	s28 =	sadd.s32 $0x150, s9;
	s26 =	sor.u32 $0x800, s10  }
0xbd: {  	[hbm4b:s28+s3] =	stream.linear.scatter [tilespmem:s26], [sflag:$0x1], $0x80, $0x38;
	[tilespmem:$0x10400] =	vst v63  }
0xbe: {  	s30 =	sadd.s32 $0x1D0, s9;
	s29 =	sor.u32 $0xC00, s10  }
0xbf: {  	(v2sf) =	vpush v0, $0x6;
	[hbm4b:s30+s3] =	stream.linear.scatter [tilespmem:s29], [sflag:$0x1], $0x80, $0x38;
	[tilespmem:$0x10400] =	vst v63  }
0xc0: {  	s0 =	sadd.s32 $0x250, s9;
	s31 =	sor.u32 $0x1000, s10  }
0xc1: {  	[hbm4b:s0+s3] =	stream.linear.scatter [tilespmem:s31], [sflag:$0x1], $0x80, $0x38;
	[tilespmem:$0x10400] =	vst v63  }
0xc2: {  	s2 =	sadd.s32 $0x2D0, s9;
	s1 =	sor.u32 $0x1400, s10  }
0xc3: {  	[hbm4b:s2+s3] =	stream.linear.scatter [tilespmem:s1], [sflag:$0x1], $0x80, $0x38;
	[tilespmem:$0x10400] =	vst v63  }
0xc4: {  	s14 =	sadd.s32 $0x350, s9;
	s13 =	sor.u32 $0x1800, s10  }
0xc5: {  	[hbm4b:s14+s3] =	stream.linear.scatter [tilespmem:s13], [sflag:$0x1], $0x80, $0x38;
	[tilespmem:$0x10400] =	vst v63  }
0xc6: {  	s16 =	sadd.s32 $0x3D0, s9;
	s15 =	sor.u32 $0x1C00, s10  }
0xc7: {  	[hbm4b:s16+s3] =	stream.linear.scatter [tilespmem:s15], [sflag:$0x1], $0x80, $0x38;
	[tilespmem:$0x10400] =	vst v63  }
0xc8: {  	s18 =	sadd.s32 $0x450, s9;
	s17 =	sor.u32 $0x2000, s10  }
0xc9: {  	[hbm4b:s18+s3] =	stream.linear.scatter [tilespmem:s17], [sflag:$0x1], $0x80, $0x38;
	[tilespmem:$0x10400] =	vst v63  }
0xca: {  	s20 =	sadd.s32 $0x4D0, s9;
	s19 =	sor.u32 $0x2400, s10  }
0xcb: {  	[hbm4b:s20+s3] =	stream.linear.scatter [tilespmem:s19], [sflag:$0x1], $0x80, $0x38;
	[tilespmem:$0x10400] =	vst v63  }
0xcc: {  	s22 =	sadd.s32 $0x550, s9;
	s21 =	sor.u32 $0x2800, s10  }
0xcd: {  	[hbm4b:s22+s3] =	stream.linear.scatter [tilespmem:s21], [sflag:$0x1], $0x80, $0x38;
	[tilespmem:$0x10400] =	vst v63  }
0xce: {  	s23 =	spop (v2sf);
	s24 =	sor.u32 $0x2C00, s10;
	s25 =	sadd.s32 $0x5D0, s9  }
0xcf: {  	[hbm4b:s25+s3] =	stream.linear.scatter [tilespmem:s24], [sflag:$0x1], $0x80, $0x38;
	[tilespmem:$0x10400] =	vst v63  }
0xd0: {  	s11 =	sshll.u32 s23, $0x7;
	s28 =	sor.u32 $0x3000, s10;
	s29 =	sadd.s32 $0x650, s9  }
0xd1: {  	[hbm4b:s29+s3] =	stream.linear.scatter [tilespmem:s28], [sflag:$0x1], $0x80, $0x38;
	[tilespmem:$0x10400] =	vst v63  }
0xd2: {  	s11 =	sand.u32 $0x380, s11;
	s30 =	sor.u32 $0x3400, s10;
	s31 =	sadd.s32 $0x6D0, s9  }
0xd3: {  	[hbm4b:s31+s3] =	stream.linear.scatter [tilespmem:s30], [sflag:$0x1], $0x80, $0x38;
	[tilespmem:$0x10400] =	vst v63  }
0xd4: {  	s26 =	sshll.u32 s23, $0xB;
	s0 =	sor.u32 $0x3800, s10;
	s1 =	sadd.s32 $0x750, s9  }
0xd5: {  	[hbm4b:s1+s3] =	stream.linear.scatter [tilespmem:s0], [sflag:$0x1], $0x80, $0x38;
	[tilespmem:$0x10400] =	vst v63  }
0xd6: {  	s12 =	sand.u32 $0xFFFFC000, s26;
	s10 =	sor.u32 $0x3C00, s10;
	s2 =	sadd.s32 $0x7D0, s9  }
0xd7: {  	[hbm4b:s2+s3] =	stream.linear.scatter [tilespmem:s10], [sflag:$0x1], $0x80, $0x38;
	[tilespmem:$0x10400] =	vst v63  }
0xd8: {  	s10 =	sor.u32 s11, s12;
	s12 =	sadd.s32 $0x60, s9  }
0xd9: {  	[hbm4b:s12+s3] =	stream.linear.scatter [tilespmem:s10], [sflag:$0x1], $0x80, $0x38;
	[tilespmem:$0x10400] =	vst v63  }
0xda: {  	s14 =	sadd.s32 $0xE0, s9;
	s13 =	sor.u32 $0x400, s10  }
0xdb: {  	[hbm4b:s14+s3] =	stream.linear.scatter [tilespmem:s13], [sflag:$0x1], $0x80, $0x38;
	[tilespmem:$0x10400] =	vst v63  }
0xdc: {  	s16 =	sadd.s32 $0x160, s9;
	s15 =	sor.u32 $0x800, s10  }
0xdd: {  	[hbm4b:s16+s3] =	stream.linear.scatter [tilespmem:s15], [sflag:$0x1], $0x80, $0x38;
	[tilespmem:$0x10400] =	vst v63  }
0xde: {  	s18 =	sadd.s32 $0x1E0, s9;
	s17 =	sor.u32 $0xC00, s10  }
0xdf: {  	(v2sf) =	vpush v0, $0x7;
	[hbm4b:s18+s3] =	stream.linear.scatter [tilespmem:s17], [sflag:$0x1], $0x80, $0x38;
	[tilespmem:$0x10400] =	vst v63  }
0xe0: {  	s20 =	sadd.s32 $0x260, s9;
	s19 =	sor.u32 $0x1000, s10  }
0xe1: {  	[hbm4b:s20+s3] =	stream.linear.scatter [tilespmem:s19], [sflag:$0x1], $0x80, $0x38;
	[tilespmem:$0x10400] =	vst v63  }
0xe2: {  	s22 =	sadd.s32 $0x2E0, s9;
	s21 =	sor.u32 $0x1400, s10  }
0xe3: {  	[hbm4b:s22+s3] =	stream.linear.scatter [tilespmem:s21], [sflag:$0x1], $0x80, $0x38;
	[tilespmem:$0x10400] =	vst v63  }
0xe4: {  	s24 =	sadd.s32 $0x360, s9;
	s23 =	sor.u32 $0x1800, s10  }
0xe5: {  	[hbm4b:s24+s3] =	stream.linear.scatter [tilespmem:s23], [sflag:$0x1], $0x80, $0x38;
	[tilespmem:$0x10400] =	vst v63  }
0xe6: {  	s26 =	sadd.s32 $0x3E0, s9;
	s25 =	sor.u32 $0x1C00, s10  }
0xe7: {  	[hbm4b:s26+s3] =	stream.linear.scatter [tilespmem:s25], [sflag:$0x1], $0x80, $0x38;
	[tilespmem:$0x10400] =	vst v63  }
0xe8: {  	s29 =	sadd.s32 $0x460, s9;
	s28 =	sor.u32 $0x2000, s10  }
0xe9: {  	[hbm4b:s29+s3] =	stream.linear.scatter [tilespmem:s28], [sflag:$0x1], $0x80, $0x38;
	[tilespmem:$0x10400] =	vst v63  }
0xea: {  	s31 =	sadd.s32 $0x4E0, s9;
	s30 =	sor.u32 $0x2400, s10  }
0xeb: {  	[hbm4b:s31+s3] =	stream.linear.scatter [tilespmem:s30], [sflag:$0x1], $0x80, $0x38;
	[tilespmem:$0x10400] =	vst v63  }
0xec: {  	s1 =	sadd.s32 $0x560, s9;
	s0 =	sor.u32 $0x2800, s10  }
0xed: {  	[hbm4b:s1+s3] =	stream.linear.scatter [tilespmem:s0], [sflag:$0x1], $0x80, $0x38;
	[tilespmem:$0x10400] =	vst v63  }
0xee: {  	s2 =	spop (v2sf);
	s13 =	sor.u32 $0x2C00, s10;
	s14 =	sadd.s32 $0x5E0, s9  }
0xef: {  	[hbm4b:s14+s3] =	stream.linear.scatter [tilespmem:s13], [sflag:$0x1], $0x80, $0x38;
	[tilespmem:$0x10400] =	vst v63  }
0xf0: {  	s11 =	sshll.u32 s2, $0x7;
	s16 =	sor.u32 $0x3000, s10;
	s17 =	sadd.s32 $0x660, s9  }
0xf1: {  	[hbm4b:s17+s3] =	stream.linear.scatter [tilespmem:s16], [sflag:$0x1], $0x80, $0x38;
	[tilespmem:$0x10400] =	vst v63  }
0xf2: {  	s11 =	sand.u32 $0x380, s11;
	s18 =	sor.u32 $0x3400, s10;
	s19 =	sadd.s32 $0x6E0, s9  }
0xf3: {  	[hbm4b:s19+s3] =	stream.linear.scatter [tilespmem:s18], [sflag:$0x1], $0x80, $0x38;
	[tilespmem:$0x10400] =	vst v63  }
0xf4: {  	s15 =	sshll.u32 s2, $0xB;
	s20 =	sor.u32 $0x3800, s10;
	s21 =	sadd.s32 $0x760, s9  }
0xf5: {  	[hbm4b:s21+s3] =	stream.linear.scatter [tilespmem:s20], [sflag:$0x1], $0x80, $0x38;
	[tilespmem:$0x10400] =	vst v63  }
0xf6: {  	s12 =	sand.u32 $0xFFFFC000, s15;
	s10 =	sor.u32 $0x3C00, s10;
	s22 =	sadd.s32 $0x7E0, s9  }
0xf7: {  	[hbm4b:s22+s3] =	stream.linear.scatter [tilespmem:s10], [sflag:$0x1], $0x80, $0x38;
	[tilespmem:$0x10400] =	vst v63  }
0xf8: {  	s23 =	sadd.s32 $0x70, s9;
	s10 =	sor.u32 s11, s12  }
0xf9: {  	[hbm4b:s23+s3] =	stream.linear.scatter [tilespmem:s10], [sflag:$0x1], $0x80, $0x38;
	[tilespmem:$0x10400] =	vst v63  }
0xfa: {  	s25 =	sadd.s32 $0xF0, s9;
	s24 =	sor.u32 $0x400, s10  }
0xfb: {  	[hbm4b:s25+s3] =	stream.linear.scatter [tilespmem:s24], [sflag:$0x1], $0x80, $0x38;
	[tilespmem:$0x10400] =	vst v63  }
0xfc: {  	s28 =	sadd.s32 $0x170, s9;
	s26 =	sor.u32 $0x800, s10  }
0xfd: {  	[hbm4b:s28+s3] =	stream.linear.scatter [tilespmem:s26], [sflag:$0x1], $0x80, $0x38;
	[tilespmem:$0x10400] =	vst v63  }
0xfe: {  	s30 =	sadd.s32 $0x1F0, s9;
	s29 =	sor.u32 $0xC00, s10  }
0xff: {  	(v2sf) =	vpush v0, $0x8;
	[hbm4b:s30+s3] =	stream.linear.scatter [tilespmem:s29], [sflag:$0x1], $0x80, $0x38;
	[tilespmem:$0x10400] =	vst v63  }
0x100: {  	s0 =	sadd.s32 $0x270, s9;
	s31 =	sor.u32 $0x1000, s10  }
0x101: {  	[hbm4b:s0+s3] =	stream.linear.scatter [tilespmem:s31], [sflag:$0x1], $0x80, $0x38;
	[tilespmem:$0x10400] =	vst v63  }
0x102: {  	s2 =	sadd.s32 $0x2F0, s9;
	s1 =	sor.u32 $0x1400, s10  }
0x103: {  	[hbm4b:s2+s3] =	stream.linear.scatter [tilespmem:s1], [sflag:$0x1], $0x80, $0x38;
	[tilespmem:$0x10400] =	vst v63  }
0x104: {  	s14 =	sadd.s32 $0x370, s9;
	s13 =	sor.u32 $0x1800, s10  }
0x105: {  	[hbm4b:s14+s3] =	stream.linear.scatter [tilespmem:s13], [sflag:$0x1], $0x80, $0x38;
	[tilespmem:$0x10400] =	vst v63  }
0x106: {  	s16 =	sadd.s32 $0x3F0, s9;
	s15 =	sor.u32 $0x1C00, s10  }
0x107: {  	[hbm4b:s16+s3] =	stream.linear.scatter [tilespmem:s15], [sflag:$0x1], $0x80, $0x38;
	[tilespmem:$0x10400] =	vst v63  }
0x108: {  	s18 =	sadd.s32 $0x470, s9;
	s17 =	sor.u32 $0x2000, s10  }
0x109: {  	[hbm4b:s18+s3] =	stream.linear.scatter [tilespmem:s17], [sflag:$0x1], $0x80, $0x38;
	[tilespmem:$0x10400] =	vst v63  }
0x10a: {  	s20 =	sadd.s32 $0x4F0, s9;
	s19 =	sor.u32 $0x2400, s10  }
0x10b: {  	[hbm4b:s20+s3] =	stream.linear.scatter [tilespmem:s19], [sflag:$0x1], $0x80, $0x38;
	[tilespmem:$0x10400] =	vst v63  }
0x10c: {  	s22 =	sadd.s32 $0x570, s9;
	s21 =	sor.u32 $0x2800, s10  }
0x10d: {  	[hbm4b:s22+s3] =	stream.linear.scatter [tilespmem:s21], [sflag:$0x1], $0x80, $0x38;
	[tilespmem:$0x10400] =	vst v63  }
0x10e: {  	s23 =	spop (v2sf);
	s24 =	sor.u32 $0x2C00, s10;
	s25 =	sadd.s32 $0x5F0, s9  }
0x10f: {  	[hbm4b:s25+s3] =	stream.linear.scatter [tilespmem:s24], [sflag:$0x1], $0x80, $0x38;
	[tilespmem:$0x10400] =	vst v63  }
0x110: {  	s11 =	sshll.u32 s23, $0x7;
	s28 =	sor.u32 $0x3000, s10;
	s29 =	sadd.s32 $0x670, s9  }
0x111: {  	[hbm4b:s29+s3] =	stream.linear.scatter [tilespmem:s28], [sflag:$0x1], $0x80, $0x38;
	[tilespmem:$0x10400] =	vst v63  }
0x112: {  	s11 =	sand.u32 $0x380, s11;
	s30 =	sor.u32 $0x3400, s10;
	s31 =	sadd.s32 $0x6F0, s9  }
0x113: {  	[hbm4b:s31+s3] =	stream.linear.scatter [tilespmem:s30], [sflag:$0x1], $0x80, $0x38;
	[tilespmem:$0x10400] =	vst v63  }
0x114: {  	s26 =	sshll.u32 s23, $0xB;
	s0 =	sor.u32 $0x3800, s10;
	s1 =	sadd.s32 $0x770, s9  }
0x115: {  	[hbm4b:s1+s3] =	stream.linear.scatter [tilespmem:s0], [sflag:$0x1], $0x80, $0x38;
	[tilespmem:$0x10400] =	vst v63  }
0x116: {  	s12 =	sand.u32 $0xFFFFC000, s26;
	s10 =	sor.u32 $0x3C00, s10;
	s2 =	sadd.s32 $0x7F0, s9  }
0x117: {  	[hbm4b:s2+s3] =	stream.linear.scatter [tilespmem:s10], [sflag:$0x1], $0x80, $0x38;
	[tilespmem:$0x10400] =	vst v63  }
0x118: {  	s10 =	sor.u32 s11, s12;
	s12 =	sadd.s32 $0x800, s9  }
0x119: {  	[hbm4b:s12+s3] =	stream.linear.scatter [tilespmem:s10], [sflag:$0x1], $0x80, $0x38;
	[tilespmem:$0x10400] =	vst v63  }
0x11a: {  	s14 =	sadd.s32 $0x880, s9;
	s13 =	sor.u32 $0x400, s10  }
0x11b: {  	[hbm4b:s14+s3] =	stream.linear.scatter [tilespmem:s13], [sflag:$0x1], $0x80, $0x38;
	[tilespmem:$0x10400] =	vst v63  }
0x11c: {  	s16 =	sadd.s32 $0x900, s9;
	s15 =	sor.u32 $0x800, s10  }
0x11d: {  	[hbm4b:s16+s3] =	stream.linear.scatter [tilespmem:s15], [sflag:$0x1], $0x80, $0x38;
	[tilespmem:$0x10400] =	vst v63  }
0x11e: {  	s18 =	sadd.s32 $0x980, s9;
	s17 =	sor.u32 $0xC00, s10  }
0x11f: {  	(v2sf) =	vpush v0, $0x9;
	[hbm4b:s18+s3] =	stream.linear.scatter [tilespmem:s17], [sflag:$0x1], $0x80, $0x38;
	[tilespmem:$0x10400] =	vst v63  }
0x120: {  	s20 =	sadd.s32 $0xA00, s9;
	s19 =	sor.u32 $0x1000, s10  }
0x121: {  	[hbm4b:s20+s3] =	stream.linear.scatter [tilespmem:s19], [sflag:$0x1], $0x80, $0x38;
	[tilespmem:$0x10400] =	vst v63  }
0x122: {  	s22 =	sadd.s32 $0xA80, s9;
	s21 =	sor.u32 $0x1400, s10  }
0x123: {  	[hbm4b:s22+s3] =	stream.linear.scatter [tilespmem:s21], [sflag:$0x1], $0x80, $0x38;
	[tilespmem:$0x10400] =	vst v63  }
0x124: {  	s24 =	sadd.s32 $0xB00, s9;
	s23 =	sor.u32 $0x1800, s10  }
0x125: {  	[hbm4b:s24+s3] =	stream.linear.scatter [tilespmem:s23], [sflag:$0x1], $0x80, $0x38;
	[tilespmem:$0x10400] =	vst v63  }
0x126: {  	s26 =	sadd.s32 $0xB80, s9;
	s25 =	sor.u32 $0x1C00, s10  }
0x127: {  	[hbm4b:s26+s3] =	stream.linear.scatter [tilespmem:s25], [sflag:$0x1], $0x80, $0x38;
	[tilespmem:$0x10400] =	vst v63  }
0x128: {  	s29 =	sadd.s32 $0xC00, s9;
	s28 =	sor.u32 $0x2000, s10  }
0x129: {  	[hbm4b:s29+s3] =	stream.linear.scatter [tilespmem:s28], [sflag:$0x1], $0x80, $0x38;
	[tilespmem:$0x10400] =	vst v63  }
0x12a: {  	s31 =	sadd.s32 $0xC80, s9;
	s30 =	sor.u32 $0x2400, s10  }
0x12b: {  	[hbm4b:s31+s3] =	stream.linear.scatter [tilespmem:s30], [sflag:$0x1], $0x80, $0x38;
	[tilespmem:$0x10400] =	vst v63  }
0x12c: {  	s1 =	sadd.s32 $0xD00, s9;
	s0 =	sor.u32 $0x2800, s10  }
0x12d: {  	[hbm4b:s1+s3] =	stream.linear.scatter [tilespmem:s0], [sflag:$0x1], $0x80, $0x38;
	[tilespmem:$0x10400] =	vst v63  }
0x12e: {  	s2 =	spop (v2sf);
	s13 =	sor.u32 $0x2C00, s10;
	s14 =	sadd.s32 $0xD80, s9  }
0x12f: {  	[hbm4b:s14+s3] =	stream.linear.scatter [tilespmem:s13], [sflag:$0x1], $0x80, $0x38;
	[tilespmem:$0x10400] =	vst v63  }
0x130: {  	s11 =	sshll.u32 s2, $0x7;
	s16 =	sor.u32 $0x3000, s10;
	s17 =	sadd.s32 $0xE00, s9  }
0x131: {  	[hbm4b:s17+s3] =	stream.linear.scatter [tilespmem:s16], [sflag:$0x1], $0x80, $0x38;
	[tilespmem:$0x10400] =	vst v63  }
0x132: {  	s11 =	sand.u32 $0x380, s11;
	s18 =	sor.u32 $0x3400, s10;
	s19 =	sadd.s32 $0xE80, s9  }
0x133: {  	[hbm4b:s19+s3] =	stream.linear.scatter [tilespmem:s18], [sflag:$0x1], $0x80, $0x38;
	[tilespmem:$0x10400] =	vst v63  }
0x134: {  	s15 =	sshll.u32 s2, $0xB;
	s20 =	sor.u32 $0x3800, s10;
	s21 =	sadd.s32 $0xF00, s9  }
0x135: {  	[hbm4b:s21+s3] =	stream.linear.scatter [tilespmem:s20], [sflag:$0x1], $0x80, $0x38;
	[tilespmem:$0x10400] =	vst v63  }
0x136: {  	s12 =	sand.u32 $0xFFFFC000, s15;
	s10 =	sor.u32 $0x3C00, s10;
	s22 =	sadd.s32 $0xF80, s9  }
0x137: {  	[hbm4b:s22+s3] =	stream.linear.scatter [tilespmem:s10], [sflag:$0x1], $0x80, $0x38;
	[tilespmem:$0x10400] =	vst v63  }
0x138: {  	s23 =	sadd.s32 $0x810, s9;
	s10 =	sor.u32 s11, s12  }
0x139: {  	[hbm4b:s23+s3] =	stream.linear.scatter [tilespmem:s10], [sflag:$0x1], $0x80, $0x38;
	[tilespmem:$0x10400] =	vst v63  }
0x13a: {  	s25 =	sadd.s32 $0x890, s9;
	s24 =	sor.u32 $0x400, s10  }
0x13b: {  	[hbm4b:s25+s3] =	stream.linear.scatter [tilespmem:s24], [sflag:$0x1], $0x80, $0x38;
	[tilespmem:$0x10400] =	vst v63  }
0x13c: {  	s28 =	sadd.s32 $0x910, s9;
	s26 =	sor.u32 $0x800, s10  }
0x13d: {  	[hbm4b:s28+s3] =	stream.linear.scatter [tilespmem:s26], [sflag:$0x1], $0x80, $0x38;
	[tilespmem:$0x10400] =	vst v63  }
0x13e: {  	s30 =	sadd.s32 $0x990, s9;
	s29 =	sor.u32 $0xC00, s10  }
0x13f: {  	(v2sf) =	vpush v0, $0xA;
	[hbm4b:s30+s3] =	stream.linear.scatter [tilespmem:s29], [sflag:$0x1], $0x80, $0x38;
	[tilespmem:$0x10400] =	vst v63  }
0x140: {  	s0 =	sadd.s32 $0xA10, s9;
	s31 =	sor.u32 $0x1000, s10  }
0x141: {  	[hbm4b:s0+s3] =	stream.linear.scatter [tilespmem:s31], [sflag:$0x1], $0x80, $0x38;
	[tilespmem:$0x10400] =	vst v63  }
0x142: {  	s2 =	sadd.s32 $0xA90, s9;
	s1 =	sor.u32 $0x1400, s10  }
0x143: {  	[hbm4b:s2+s3] =	stream.linear.scatter [tilespmem:s1], [sflag:$0x1], $0x80, $0x38;
	[tilespmem:$0x10400] =	vst v63  }
0x144: {  	s14 =	sadd.s32 $0xB10, s9;
	s13 =	sor.u32 $0x1800, s10  }
0x145: {  	[hbm4b:s14+s3] =	stream.linear.scatter [tilespmem:s13], [sflag:$0x1], $0x80, $0x38;
	[tilespmem:$0x10400] =	vst v63  }
0x146: {  	s16 =	sadd.s32 $0xB90, s9;
	s15 =	sor.u32 $0x1C00, s10  }
0x147: {  	[hbm4b:s16+s3] =	stream.linear.scatter [tilespmem:s15], [sflag:$0x1], $0x80, $0x38;
	[tilespmem:$0x10400] =	vst v63  }
0x148: {  	s18 =	sadd.s32 $0xC10, s9;
	s17 =	sor.u32 $0x2000, s10  }
0x149: {  	[hbm4b:s18+s3] =	stream.linear.scatter [tilespmem:s17], [sflag:$0x1], $0x80, $0x38;
	[tilespmem:$0x10400] =	vst v63  }
0x14a: {  	s20 =	sadd.s32 $0xC90, s9;
	s19 =	sor.u32 $0x2400, s10  }
0x14b: {  	[hbm4b:s20+s3] =	stream.linear.scatter [tilespmem:s19], [sflag:$0x1], $0x80, $0x38;
	[tilespmem:$0x10400] =	vst v63  }
0x14c: {  	s22 =	sadd.s32 $0xD10, s9;
	s21 =	sor.u32 $0x2800, s10  }
0x14d: {  	[hbm4b:s22+s3] =	stream.linear.scatter [tilespmem:s21], [sflag:$0x1], $0x80, $0x38;
	[tilespmem:$0x10400] =	vst v63  }
0x14e: {  	s23 =	spop (v2sf);
	s24 =	sor.u32 $0x2C00, s10;
	s25 =	sadd.s32 $0xD90, s9  }
0x14f: {  	[hbm4b:s25+s3] =	stream.linear.scatter [tilespmem:s24], [sflag:$0x1], $0x80, $0x38;
	[tilespmem:$0x10400] =	vst v63  }
0x150: {  	s11 =	sshll.u32 s23, $0x7;
	s28 =	sor.u32 $0x3000, s10;
	s29 =	sadd.s32 $0xE10, s9  }
0x151: {  	[hbm4b:s29+s3] =	stream.linear.scatter [tilespmem:s28], [sflag:$0x1], $0x80, $0x38;
	[tilespmem:$0x10400] =	vst v63  }
0x152: {  	s11 =	sand.u32 $0x380, s11;
	s30 =	sor.u32 $0x3400, s10;
	s31 =	sadd.s32 $0xE90, s9  }
0x153: {  	[hbm4b:s31+s3] =	stream.linear.scatter [tilespmem:s30], [sflag:$0x1], $0x80, $0x38;
	[tilespmem:$0x10400] =	vst v63  }
0x154: {  	s26 =	sshll.u32 s23, $0xB;
	s0 =	sor.u32 $0x3800, s10;
	s1 =	sadd.s32 $0xF10, s9  }
0x155: {  	[hbm4b:s1+s3] =	stream.linear.scatter [tilespmem:s0], [sflag:$0x1], $0x80, $0x38;
	[tilespmem:$0x10400] =	vst v63  }
0x156: {  	s12 =	sand.u32 $0xFFFFC000, s26;
	s10 =	sor.u32 $0x3C00, s10;
	s2 =	sadd.s32 $0xF90, s9  }
0x157: {  	[hbm4b:s2+s3] =	stream.linear.scatter [tilespmem:s10], [sflag:$0x1], $0x80, $0x38;
	[tilespmem:$0x10400] =	vst v63  }
0x158: {  	s10 =	sor.u32 s11, s12;
	s12 =	sadd.s32 $0x820, s9  }
0x159: {  	[hbm4b:s12+s3] =	stream.linear.scatter [tilespmem:s10], [sflag:$0x1], $0x80, $0x38;
	[tilespmem:$0x10400] =	vst v63  }
0x15a: {  	s14 =	sadd.s32 $0x8A0, s9;
	s13 =	sor.u32 $0x400, s10  }
0x15b: {  	[hbm4b:s14+s3] =	stream.linear.scatter [tilespmem:s13], [sflag:$0x1], $0x80, $0x38;
	[tilespmem:$0x10400] =	vst v63  }
0x15c: {  	s16 =	sadd.s32 $0x920, s9;
	s15 =	sor.u32 $0x800, s10  }
0x15d: {  	[hbm4b:s16+s3] =	stream.linear.scatter [tilespmem:s15], [sflag:$0x1], $0x80, $0x38;
	[tilespmem:$0x10400] =	vst v63  }
0x15e: {  	s18 =	sadd.s32 $0x9A0, s9;
	s17 =	sor.u32 $0xC00, s10  }
0x15f: {  	(v2sf) =	vpush v0, $0xB;
	[hbm4b:s18+s3] =	stream.linear.scatter [tilespmem:s17], [sflag:$0x1], $0x80, $0x38;
	[tilespmem:$0x10400] =	vst v63  }
0x160: {  	s20 =	sadd.s32 $0xA20, s9;
	s19 =	sor.u32 $0x1000, s10  }
0x161: {  	[hbm4b:s20+s3] =	stream.linear.scatter [tilespmem:s19], [sflag:$0x1], $0x80, $0x38;
	[tilespmem:$0x10400] =	vst v63  }
0x162: {  	s22 =	sadd.s32 $0xAA0, s9;
	s21 =	sor.u32 $0x1400, s10  }
0x163: {  	[hbm4b:s22+s3] =	stream.linear.scatter [tilespmem:s21], [sflag:$0x1], $0x80, $0x38;
	[tilespmem:$0x10400] =	vst v63  }
0x164: {  	s24 =	sadd.s32 $0xB20, s9;
	s23 =	sor.u32 $0x1800, s10  }
0x165: {  	[hbm4b:s24+s3] =	stream.linear.scatter [tilespmem:s23], [sflag:$0x1], $0x80, $0x38;
	[tilespmem:$0x10400] =	vst v63  }
0x166: {  	s26 =	sadd.s32 $0xBA0, s9;
	s25 =	sor.u32 $0x1C00, s10  }
0x167: {  	[hbm4b:s26+s3] =	stream.linear.scatter [tilespmem:s25], [sflag:$0x1], $0x80, $0x38;
	[tilespmem:$0x10400] =	vst v63  }
0x168: {  	s29 =	sadd.s32 $0xC20, s9;
	s28 =	sor.u32 $0x2000, s10  }
0x169: {  	[hbm4b:s29+s3] =	stream.linear.scatter [tilespmem:s28], [sflag:$0x1], $0x80, $0x38;
	[tilespmem:$0x10400] =	vst v63  }
0x16a: {  	s31 =	sadd.s32 $0xCA0, s9;
	s30 =	sor.u32 $0x2400, s10  }
0x16b: {  	[hbm4b:s31+s3] =	stream.linear.scatter [tilespmem:s30], [sflag:$0x1], $0x80, $0x38;
	[tilespmem:$0x10400] =	vst v63  }
0x16c: {  	s1 =	sadd.s32 $0xD20, s9;
	s0 =	sor.u32 $0x2800, s10  }
0x16d: {  	[hbm4b:s1+s3] =	stream.linear.scatter [tilespmem:s0], [sflag:$0x1], $0x80, $0x38;
	[tilespmem:$0x10400] =	vst v63  }
0x16e: {  	s2 =	spop (v2sf);
	s13 =	sor.u32 $0x2C00, s10;
	s14 =	sadd.s32 $0xDA0, s9  }
0x16f: {  	[hbm4b:s14+s3] =	stream.linear.scatter [tilespmem:s13], [sflag:$0x1], $0x80, $0x38;
	[tilespmem:$0x10400] =	vst v63  }
0x170: {  	s11 =	sshll.u32 s2, $0x7;
	s16 =	sor.u32 $0x3000, s10;
	s17 =	sadd.s32 $0xE20, s9  }
0x171: {  	[hbm4b:s17+s3] =	stream.linear.scatter [tilespmem:s16], [sflag:$0x1], $0x80, $0x38;
	[tilespmem:$0x10400] =	vst v63  }
0x172: {  	s11 =	sand.u32 $0x380, s11;
	s18 =	sor.u32 $0x3400, s10;
	s19 =	sadd.s32 $0xEA0, s9  }
0x173: {  	[hbm4b:s19+s3] =	stream.linear.scatter [tilespmem:s18], [sflag:$0x1], $0x80, $0x38;
	[tilespmem:$0x10400] =	vst v63  }
0x174: {  	s15 =	sshll.u32 s2, $0xB;
	s20 =	sor.u32 $0x3800, s10;
	s21 =	sadd.s32 $0xF20, s9  }
0x175: {  	[hbm4b:s21+s3] =	stream.linear.scatter [tilespmem:s20], [sflag:$0x1], $0x80, $0x38;
	[tilespmem:$0x10400] =	vst v63  }
0x176: {  	s12 =	sand.u32 $0xFFFFC000, s15;
	s10 =	sor.u32 $0x3C00, s10;
	s22 =	sadd.s32 $0xFA0, s9  }
0x177: {  	[hbm4b:s22+s3] =	stream.linear.scatter [tilespmem:s10], [sflag:$0x1], $0x80, $0x38;
	[tilespmem:$0x10400] =	vst v63  }
0x178: {  	s23 =	sadd.s32 $0x830, s9;
	s10 =	sor.u32 s11, s12  }
0x179: {  	[hbm4b:s23+s3] =	stream.linear.scatter [tilespmem:s10], [sflag:$0x1], $0x80, $0x38;
	[tilespmem:$0x10400] =	vst v63  }
0x17a: {  	s25 =	sadd.s32 $0x8B0, s9;
	s24 =	sor.u32 $0x400, s10  }
0x17b: {  	[hbm4b:s25+s3] =	stream.linear.scatter [tilespmem:s24], [sflag:$0x1], $0x80, $0x38;
	[tilespmem:$0x10400] =	vst v63  }
0x17c: {  	s28 =	sadd.s32 $0x930, s9;
	s26 =	sor.u32 $0x800, s10  }
0x17d: {  	[hbm4b:s28+s3] =	stream.linear.scatter [tilespmem:s26], [sflag:$0x1], $0x80, $0x38;
	[tilespmem:$0x10400] =	vst v63  }
0x17e: {  	s30 =	sadd.s32 $0x9B0, s9;
	s29 =	sor.u32 $0xC00, s10  }
0x17f: {  	(v2sf) =	vpush v0, $0xC;
	[hbm4b:s30+s3] =	stream.linear.scatter [tilespmem:s29], [sflag:$0x1], $0x80, $0x38;
	[tilespmem:$0x10400] =	vst v63  }
0x180: {  	s0 =	sadd.s32 $0xA30, s9;
	s31 =	sor.u32 $0x1000, s10  }
0x181: {  	[hbm4b:s0+s3] =	stream.linear.scatter [tilespmem:s31], [sflag:$0x1], $0x80, $0x38;
	[tilespmem:$0x10400] =	vst v63  }
0x182: {  	s2 =	sadd.s32 $0xAB0, s9;
	s1 =	sor.u32 $0x1400, s10  }
0x183: {  	[hbm4b:s2+s3] =	stream.linear.scatter [tilespmem:s1], [sflag:$0x1], $0x80, $0x38;
	[tilespmem:$0x10400] =	vst v63  }
0x184: {  	s14 =	sadd.s32 $0xB30, s9;
	s13 =	sor.u32 $0x1800, s10  }
0x185: {  	[hbm4b:s14+s3] =	stream.linear.scatter [tilespmem:s13], [sflag:$0x1], $0x80, $0x38;
	[tilespmem:$0x10400] =	vst v63  }
0x186: {  	s16 =	sadd.s32 $0xBB0, s9;
	s15 =	sor.u32 $0x1C00, s10  }
0x187: {  	[hbm4b:s16+s3] =	stream.linear.scatter [tilespmem:s15], [sflag:$0x1], $0x80, $0x38;
	[tilespmem:$0x10400] =	vst v63  }
0x188: {  	s18 =	sadd.s32 $0xC30, s9;
	s17 =	sor.u32 $0x2000, s10  }
0x189: {  	[hbm4b:s18+s3] =	stream.linear.scatter [tilespmem:s17], [sflag:$0x1], $0x80, $0x38;
	[tilespmem:$0x10400] =	vst v63  }
0x18a: {  	s20 =	sadd.s32 $0xCB0, s9;
	s19 =	sor.u32 $0x2400, s10  }
0x18b: {  	[hbm4b:s20+s3] =	stream.linear.scatter [tilespmem:s19], [sflag:$0x1], $0x80, $0x38;
	[tilespmem:$0x10400] =	vst v63  }
0x18c: {  	s22 =	sadd.s32 $0xD30, s9;
	s21 =	sor.u32 $0x2800, s10  }
0x18d: {  	[hbm4b:s22+s3] =	stream.linear.scatter [tilespmem:s21], [sflag:$0x1], $0x80, $0x38;
	[tilespmem:$0x10400] =	vst v63  }
0x18e: {  	s23 =	spop (v2sf);
	s24 =	sor.u32 $0x2C00, s10;
	s25 =	sadd.s32 $0xDB0, s9  }
0x18f: {  	[hbm4b:s25+s3] =	stream.linear.scatter [tilespmem:s24], [sflag:$0x1], $0x80, $0x38;
	[tilespmem:$0x10400] =	vst v63  }
0x190: {  	s11 =	sshll.u32 s23, $0x7;
	s28 =	sor.u32 $0x3000, s10;
	s29 =	sadd.s32 $0xE30, s9  }
0x191: {  	[hbm4b:s29+s3] =	stream.linear.scatter [tilespmem:s28], [sflag:$0x1], $0x80, $0x38;
	[tilespmem:$0x10400] =	vst v63  }
0x192: {  	s11 =	sand.u32 $0x380, s11;
	s30 =	sor.u32 $0x3400, s10;
	s31 =	sadd.s32 $0xEB0, s9  }
0x193: {  	[hbm4b:s31+s3] =	stream.linear.scatter [tilespmem:s30], [sflag:$0x1], $0x80, $0x38;
	[tilespmem:$0x10400] =	vst v63  }
0x194: {  	s26 =	sshll.u32 s23, $0xB;
	s0 =	sor.u32 $0x3800, s10;
	s1 =	sadd.s32 $0xF30, s9  }
0x195: {  	[hbm4b:s1+s3] =	stream.linear.scatter [tilespmem:s0], [sflag:$0x1], $0x80, $0x38;
	[tilespmem:$0x10400] =	vst v63  }
0x196: {  	s12 =	sand.u32 $0xFFFFC000, s26;
	s10 =	sor.u32 $0x3C00, s10;
	s2 =	sadd.s32 $0xFB0, s9  }
0x197: {  	[hbm4b:s2+s3] =	stream.linear.scatter [tilespmem:s10], [sflag:$0x1], $0x80, $0x38;
	[tilespmem:$0x10400] =	vst v63  }
0x198: {  	s10 =	sor.u32 s11, s12;
	s12 =	sadd.s32 $0x840, s9  }
0x199: {  	[hbm4b:s12+s3] =	stream.linear.scatter [tilespmem:s10], [sflag:$0x1], $0x80, $0x38;
	[tilespmem:$0x10400] =	vst v63  }
0x19a: {  	s14 =	sadd.s32 $0x8C0, s9;
	s13 =	sor.u32 $0x400, s10  }
0x19b: {  	[hbm4b:s14+s3] =	stream.linear.scatter [tilespmem:s13], [sflag:$0x1], $0x80, $0x38;
	[tilespmem:$0x10400] =	vst v63  }
0x19c: {  	s16 =	sadd.s32 $0x940, s9;
	s15 =	sor.u32 $0x800, s10  }
0x19d: {  	[hbm4b:s16+s3] =	stream.linear.scatter [tilespmem:s15], [sflag:$0x1], $0x80, $0x38;
	[tilespmem:$0x10400] =	vst v63  }
0x19e: {  	s18 =	sadd.s32 $0x9C0, s9;
	s17 =	sor.u32 $0xC00, s10  }
0x19f: {  	(v2sf) =	vpush v0, $0xD;
	[hbm4b:s18+s3] =	stream.linear.scatter [tilespmem:s17], [sflag:$0x1], $0x80, $0x38;
	[tilespmem:$0x10400] =	vst v63  }
0x1a0: {  	s20 =	sadd.s32 $0xA40, s9;
	s19 =	sor.u32 $0x1000, s10  }
0x1a1: {  	[hbm4b:s20+s3] =	stream.linear.scatter [tilespmem:s19], [sflag:$0x1], $0x80, $0x38;
	[tilespmem:$0x10400] =	vst v63  }
0x1a2: {  	s22 =	sadd.s32 $0xAC0, s9;
	s21 =	sor.u32 $0x1400, s10  }
0x1a3: {  	[hbm4b:s22+s3] =	stream.linear.scatter [tilespmem:s21], [sflag:$0x1], $0x80, $0x38;
	[tilespmem:$0x10400] =	vst v63  }
0x1a4: {  	s24 =	sadd.s32 $0xB40, s9;
	s23 =	sor.u32 $0x1800, s10  }
0x1a5: {  	[hbm4b:s24+s3] =	stream.linear.scatter [tilespmem:s23], [sflag:$0x1], $0x80, $0x38;
	[tilespmem:$0x10400] =	vst v63  }
0x1a6: {  	s26 =	sadd.s32 $0xBC0, s9;
	s25 =	sor.u32 $0x1C00, s10  }
0x1a7: {  	[hbm4b:s26+s3] =	stream.linear.scatter [tilespmem:s25], [sflag:$0x1], $0x80, $0x38;
	[tilespmem:$0x10400] =	vst v63  }
0x1a8: {  	s29 =	sadd.s32 $0xC40, s9;
	s28 =	sor.u32 $0x2000, s10  }
0x1a9: {  	[hbm4b:s29+s3] =	stream.linear.scatter [tilespmem:s28], [sflag:$0x1], $0x80, $0x38;
	[tilespmem:$0x10400] =	vst v63  }
0x1aa: {  	s31 =	sadd.s32 $0xCC0, s9;
	s30 =	sor.u32 $0x2400, s10  }
0x1ab: {  	[hbm4b:s31+s3] =	stream.linear.scatter [tilespmem:s30], [sflag:$0x1], $0x80, $0x38;
	[tilespmem:$0x10400] =	vst v63  }
0x1ac: {  	s1 =	sadd.s32 $0xD40, s9;
	s0 =	sor.u32 $0x2800, s10  }
0x1ad: {  	[hbm4b:s1+s3] =	stream.linear.scatter [tilespmem:s0], [sflag:$0x1], $0x80, $0x38;
	[tilespmem:$0x10400] =	vst v63  }
0x1ae: {  	s2 =	spop (v2sf);
	s13 =	sor.u32 $0x2C00, s10;
	s14 =	sadd.s32 $0xDC0, s9  }
0x1af: {  	[hbm4b:s14+s3] =	stream.linear.scatter [tilespmem:s13], [sflag:$0x1], $0x80, $0x38;
	[tilespmem:$0x10400] =	vst v63  }
0x1b0: {  	s11 =	sshll.u32 s2, $0x7;
	s16 =	sor.u32 $0x3000, s10;
	s17 =	sadd.s32 $0xE40, s9  }
0x1b1: {  	[hbm4b:s17+s3] =	stream.linear.scatter [tilespmem:s16], [sflag:$0x1], $0x80, $0x38;
	[tilespmem:$0x10400] =	vst v63  }
0x1b2: {  	s11 =	sand.u32 $0x380, s11;
	s18 =	sor.u32 $0x3400, s10;
	s19 =	sadd.s32 $0xEC0, s9  }
0x1b3: {  	[hbm4b:s19+s3] =	stream.linear.scatter [tilespmem:s18], [sflag:$0x1], $0x80, $0x38;
	[tilespmem:$0x10400] =	vst v63  }
0x1b4: {  	s15 =	sshll.u32 s2, $0xB;
	s20 =	sor.u32 $0x3800, s10;
	s21 =	sadd.s32 $0xF40, s9  }
0x1b5: {  	[hbm4b:s21+s3] =	stream.linear.scatter [tilespmem:s20], [sflag:$0x1], $0x80, $0x38;
	[tilespmem:$0x10400] =	vst v63  }
0x1b6: {  	s12 =	sand.u32 $0xFFFFC000, s15;
	s10 =	sor.u32 $0x3C00, s10;
	s22 =	sadd.s32 $0xFC0, s9  }
0x1b7: {  	[hbm4b:s22+s3] =	stream.linear.scatter [tilespmem:s10], [sflag:$0x1], $0x80, $0x38;
	[tilespmem:$0x10400] =	vst v63  }
0x1b8: {  	s23 =	sadd.s32 $0x850, s9;
	s10 =	sor.u32 s11, s12  }
0x1b9: {  	[hbm4b:s23+s3] =	stream.linear.scatter [tilespmem:s10], [sflag:$0x1], $0x80, $0x38;
	[tilespmem:$0x10400] =	vst v63  }
0x1ba: {  	s25 =	sadd.s32 $0x8D0, s9;
	s24 =	sor.u32 $0x400, s10  }
0x1bb: {  	[hbm4b:s25+s3] =	stream.linear.scatter [tilespmem:s24], [sflag:$0x1], $0x80, $0x38;
	[tilespmem:$0x10400] =	vst v63  }
0x1bc: {  	s28 =	sadd.s32 $0x950, s9;
	s26 =	sor.u32 $0x800, s10  }
0x1bd: {  	[hbm4b:s28+s3] =	stream.linear.scatter [tilespmem:s26], [sflag:$0x1], $0x80, $0x38;
	[tilespmem:$0x10400] =	vst v63  }
0x1be: {  	s30 =	sadd.s32 $0x9D0, s9;
	s29 =	sor.u32 $0xC00, s10  }
0x1bf: {  	(v2sf) =	vpush v0, $0xE;
	[hbm4b:s30+s3] =	stream.linear.scatter [tilespmem:s29], [sflag:$0x1], $0x80, $0x38;
	[tilespmem:$0x10400] =	vst v63  }
0x1c0: {  	s0 =	sadd.s32 $0xA50, s9;
	s31 =	sor.u32 $0x1000, s10  }
0x1c1: {  	[hbm4b:s0+s3] =	stream.linear.scatter [tilespmem:s31], [sflag:$0x1], $0x80, $0x38;
	[tilespmem:$0x10400] =	vst v63  }
0x1c2: {  	s2 =	sadd.s32 $0xAD0, s9;
	s1 =	sor.u32 $0x1400, s10  }
0x1c3: {  	[hbm4b:s2+s3] =	stream.linear.scatter [tilespmem:s1], [sflag:$0x1], $0x80, $0x38;
	[tilespmem:$0x10400] =	vst v63  }
0x1c4: {  	s14 =	sadd.s32 $0xB50, s9;
	s13 =	sor.u32 $0x1800, s10  }
0x1c5: {  	[hbm4b:s14+s3] =	stream.linear.scatter [tilespmem:s13], [sflag:$0x1], $0x80, $0x38;
	[tilespmem:$0x10400] =	vst v63  }
0x1c6: {  	s16 =	sadd.s32 $0xBD0, s9;
	s15 =	sor.u32 $0x1C00, s10  }
0x1c7: {  	[hbm4b:s16+s3] =	stream.linear.scatter [tilespmem:s15], [sflag:$0x1], $0x80, $0x38;
	[tilespmem:$0x10400] =	vst v63  }
0x1c8: {  	s18 =	sadd.s32 $0xC50, s9;
	s17 =	sor.u32 $0x2000, s10  }
0x1c9: {  	[hbm4b:s18+s3] =	stream.linear.scatter [tilespmem:s17], [sflag:$0x1], $0x80, $0x38;
	[tilespmem:$0x10400] =	vst v63  }
0x1ca: {  	s20 =	sadd.s32 $0xCD0, s9;
	s19 =	sor.u32 $0x2400, s10  }
0x1cb: {  	[hbm4b:s20+s3] =	stream.linear.scatter [tilespmem:s19], [sflag:$0x1], $0x80, $0x38;
	[tilespmem:$0x10400] =	vst v63  }
0x1cc: {  	s22 =	sadd.s32 $0xD50, s9;
	s21 =	sor.u32 $0x2800, s10  }
0x1cd: {  	[hbm4b:s22+s3] =	stream.linear.scatter [tilespmem:s21], [sflag:$0x1], $0x80, $0x38;
	[tilespmem:$0x10400] =	vst v63  }
0x1ce: {  	s23 =	spop (v2sf);
	s24 =	sor.u32 $0x2C00, s10;
	s25 =	sadd.s32 $0xDD0, s9  }
0x1cf: {  	[hbm4b:s25+s3] =	stream.linear.scatter [tilespmem:s24], [sflag:$0x1], $0x80, $0x38;
	[tilespmem:$0x10400] =	vst v63  }
0x1d0: {  	s11 =	sshll.u32 s23, $0x7;
	s28 =	sor.u32 $0x3000, s10;
	s29 =	sadd.s32 $0xE50, s9  }
0x1d1: {  	[hbm4b:s29+s3] =	stream.linear.scatter [tilespmem:s28], [sflag:$0x1], $0x80, $0x38;
	[tilespmem:$0x10400] =	vst v63  }
0x1d2: {  	s11 =	sand.u32 $0x380, s11;
	s30 =	sor.u32 $0x3400, s10;
	s31 =	sadd.s32 $0xED0, s9  }
0x1d3: {  	[hbm4b:s31+s3] =	stream.linear.scatter [tilespmem:s30], [sflag:$0x1], $0x80, $0x38;
	[tilespmem:$0x10400] =	vst v63  }
0x1d4: {  	s26 =	sshll.u32 s23, $0xB;
	s0 =	sor.u32 $0x3800, s10;
	s1 =	sadd.s32 $0xF50, s9  }
0x1d5: {  	[hbm4b:s1+s3] =	stream.linear.scatter [tilespmem:s0], [sflag:$0x1], $0x80, $0x38;
	[tilespmem:$0x10400] =	vst v63  }
0x1d6: {  	s12 =	sand.u32 $0xFFFFC000, s26;
	s10 =	sor.u32 $0x3C00, s10;
	s2 =	sadd.s32 $0xFD0, s9  }
0x1d7: {  	[hbm4b:s2+s3] =	stream.linear.scatter [tilespmem:s10], [sflag:$0x1], $0x80, $0x38;
	[tilespmem:$0x10400] =	vst v63  }
0x1d8: {  	s10 =	sor.u32 s11, s12;
	s12 =	sadd.s32 $0x860, s9  }
0x1d9: {  	[hbm4b:s12+s3] =	stream.linear.scatter [tilespmem:s10], [sflag:$0x1], $0x80, $0x38;
	[tilespmem:$0x10400] =	vst v63  }
0x1da: {  	s14 =	sadd.s32 $0x8E0, s9;
	s13 =	sor.u32 $0x400, s10  }
0x1db: {  	[hbm4b:s14+s3] =	stream.linear.scatter [tilespmem:s13], [sflag:$0x1], $0x80, $0x38;
	[tilespmem:$0x10400] =	vst v63  }
0x1dc: {  	s16 =	sadd.s32 $0x960, s9;
	s15 =	sor.u32 $0x800, s10  }
0x1dd: {  	[hbm4b:s16+s3] =	stream.linear.scatter [tilespmem:s15], [sflag:$0x1], $0x80, $0x38;
	[tilespmem:$0x10400] =	vst v63  }
0x1de: {  	s18 =	sadd.s32 $0x9E0, s9;
	s17 =	sor.u32 $0xC00, s10  }
0x1df: {  	(v2sf) =	vpush v0, $0xF;
	[hbm4b:s18+s3] =	stream.linear.scatter [tilespmem:s17], [sflag:$0x1], $0x80, $0x38;
	[tilespmem:$0x10400] =	vst v63  }
0x1e0: {  	s20 =	sadd.s32 $0xA60, s9;
	s19 =	sor.u32 $0x1000, s10  }
0x1e1: {  	[hbm4b:s20+s3] =	stream.linear.scatter [tilespmem:s19], [sflag:$0x1], $0x80, $0x38;
	[tilespmem:$0x10400] =	vst v63  }
0x1e2: {  	s22 =	sadd.s32 $0xAE0, s9;
	s21 =	sor.u32 $0x1400, s10  }
0x1e3: {  	[hbm4b:s22+s3] =	stream.linear.scatter [tilespmem:s21], [sflag:$0x1], $0x80, $0x38;
	[tilespmem:$0x10400] =	vst v63  }
0x1e4: {  	s24 =	sadd.s32 $0xB60, s9;
	s23 =	sor.u32 $0x1800, s10  }
0x1e5: {  	[hbm4b:s24+s3] =	stream.linear.scatter [tilespmem:s23], [sflag:$0x1], $0x80, $0x38;
	[tilespmem:$0x10400] =	vst v63  }
0x1e6: {  	s26 =	sadd.s32 $0xBE0, s9;
	s25 =	sor.u32 $0x1C00, s10  }
0x1e7: {  	[hbm4b:s26+s3] =	stream.linear.scatter [tilespmem:s25], [sflag:$0x1], $0x80, $0x38;
	[tilespmem:$0x10400] =	vst v63  }
0x1e8: {  	s29 =	sadd.s32 $0xC60, s9;
	s28 =	sor.u32 $0x2000, s10  }
0x1e9: {  	[hbm4b:s29+s3] =	stream.linear.scatter [tilespmem:s28], [sflag:$0x1], $0x80, $0x38;
	[tilespmem:$0x10400] =	vst v63  }
0x1ea: {  	s31 =	sadd.s32 $0xCE0, s9;
	s30 =	sor.u32 $0x2400, s10  }
0x1eb: {  	[hbm4b:s31+s3] =	stream.linear.scatter [tilespmem:s30], [sflag:$0x1], $0x80, $0x38;
	[tilespmem:$0x10400] =	vst v63  }
0x1ec: {  	s1 =	sadd.s32 $0xD60, s9;
	s0 =	sor.u32 $0x2800, s10  }
0x1ed: {  	[hbm4b:s1+s3] =	stream.linear.scatter [tilespmem:s0], [sflag:$0x1], $0x80, $0x38;
	[tilespmem:$0x10400] =	vst v63  }
0x1ee: {  	s2 =	spop (v2sf);
	s13 =	sor.u32 $0x2C00, s10;
	s14 =	sadd.s32 $0xDE0, s9  }
0x1ef: {  	[hbm4b:s14+s3] =	stream.linear.scatter [tilespmem:s13], [sflag:$0x1], $0x80, $0x38;
	[tilespmem:$0x10400] =	vst v63  }
0x1f0: {  	s11 =	sshll.u32 s2, $0x7;
	s16 =	sor.u32 $0x3000, s10;
	s17 =	sadd.s32 $0xE60, s9  }
0x1f1: {  	[hbm4b:s17+s3] =	stream.linear.scatter [tilespmem:s16], [sflag:$0x1], $0x80, $0x38;
	[tilespmem:$0x10400] =	vst v63  }
0x1f2: {  	s11 =	sand.u32 $0x380, s11;
	s18 =	sor.u32 $0x3400, s10;
	s19 =	sadd.s32 $0xEE0, s9  }
0x1f3: {  	[hbm4b:s19+s3] =	stream.linear.scatter [tilespmem:s18], [sflag:$0x1], $0x80, $0x38;
	[tilespmem:$0x10400] =	vst v63  }
0x1f4: {  	s15 =	sshll.u32 s2, $0xB;
	s20 =	sor.u32 $0x3800, s10;
	s21 =	sadd.s32 $0xF60, s9  }
0x1f5: {  	[hbm4b:s21+s3] =	stream.linear.scatter [tilespmem:s20], [sflag:$0x1], $0x80, $0x38;
	[tilespmem:$0x10400] =	vst v63  }
0x1f6: {  	s12 =	sand.u32 $0xFFFFC000, s15;
	s10 =	sor.u32 $0x3C00, s10;
	s22 =	sadd.s32 $0xFE0, s9  }
0x1f7: {  	[hbm4b:s22+s3] =	stream.linear.scatter [tilespmem:s10], [sflag:$0x1], $0x80, $0x38;
	[tilespmem:$0x10400] =	vst v63  }
0x1f8: {  	s23 =	sadd.s32 $0x870, s9;
	s10 =	sor.u32 s11, s12  }
0x1f9: {  	[hbm4b:s23+s3] =	stream.linear.scatter [tilespmem:s10], [sflag:$0x1], $0x80, $0x38;
	[tilespmem:$0x10400] =	vst v63  }
0x1fa: {  	s25 =	sadd.s32 $0x8F0, s9;
	s24 =	sor.u32 $0x400, s10  }
0x1fb: {  	[hbm4b:s25+s3] =	stream.linear.scatter [tilespmem:s24], [sflag:$0x1], $0x80, $0x38;
	[tilespmem:$0x10400] =	vst v63  }
0x1fc: {  	s28 =	sadd.s32 $0x970, s9;
	s26 =	sor.u32 $0x800, s10  }
0x1fd: {  	[hbm4b:s28+s3] =	stream.linear.scatter [tilespmem:s26], [sflag:$0x1], $0x80, $0x38;
	[tilespmem:$0x10400] =	vst v63  }
0x1fe: {  	s30 =	sadd.s32 $0x9F0, s9;
	s29 =	sor.u32 $0xC00, s10  }
0x1ff: {  	[hbm4b:s30+s3] =	stream.linear.scatter [tilespmem:s29], [sflag:$0x1], $0x80, $0x38;
	[tilespmem:$0x10400] =	vst v63  }
0x200: {  	s0 =	sadd.s32 $0xA70, s9;
	s31 =	sor.u32 $0x1000, s10  }
0x201: {  	[hbm4b:s0+s3] =	stream.linear.scatter [tilespmem:s31], [sflag:$0x1], $0x80, $0x38;
	[tilespmem:$0x10400] =	vst v63  }
0x202: {  	s2 =	sadd.s32 $0xAF0, s9;
	s1 =	sor.u32 $0x1400, s10  }
0x203: {  	[hbm4b:s2+s3] =	stream.linear.scatter [tilespmem:s1], [sflag:$0x1], $0x80, $0x38;
	[tilespmem:$0x10400] =	vst v63  }
0x204: {  	s14 =	sadd.s32 $0xB70, s9;
	s13 =	sor.u32 $0x1800, s10  }
0x205: {  	[hbm4b:s14+s3] =	stream.linear.scatter [tilespmem:s13], [sflag:$0x1], $0x80, $0x38;
	[tilespmem:$0x10400] =	vst v63  }
0x206: {  	s16 =	sadd.s32 $0xBF0, s9;
	s15 =	sor.u32 $0x1C00, s10  }
0x207: {  	[hbm4b:s16+s3] =	stream.linear.scatter [tilespmem:s15], [sflag:$0x1], $0x80, $0x38;
	[tilespmem:$0x10400] =	vst v63  }
0x208: {  	s18 =	sadd.s32 $0xC70, s9;
	s17 =	sor.u32 $0x2000, s10  }
0x209: {  	[hbm4b:s18+s3] =	stream.linear.scatter [tilespmem:s17], [sflag:$0x1], $0x80, $0x38;
	[tilespmem:$0x10400] =	vst v63  }
0x20a: {  	s20 =	sadd.s32 $0xCF0, s9;
	s19 =	sor.u32 $0x2400, s10  }
0x20b: {  	[hbm4b:s20+s3] =	stream.linear.scatter [tilespmem:s19], [sflag:$0x1], $0x80, $0x38;
	[tilespmem:$0x10400] =	vst v63  }
0x20c: {  	s22 =	sadd.s32 $0xD70, s9;
	s21 =	sor.u32 $0x2800, s10  }
0x20d: {  	[hbm4b:s22+s3] =	stream.linear.scatter [tilespmem:s21], [sflag:$0x1], $0x80, $0x38;
	[tilespmem:$0x10400] =	vst v63  }
0x20e: {  	s23 =	sor.u32 $0x2C00, s10;
	s24 =	sadd.s32 $0xDF0, s9  }
0x20f: {  	[hbm4b:s24+s3] =	stream.linear.scatter [tilespmem:s23], [sflag:$0x1], $0x80, $0x38;
	[tilespmem:$0x10400] =	vst v63  }
0x210: {  	s25 =	sor.u32 $0x3000, s10;
	s26 =	sadd.s32 $0xE70, s9  }
0x211: {  	[hbm4b:s26+s3] =	stream.linear.scatter [tilespmem:s25], [sflag:$0x1], $0x80, $0x38;
	[tilespmem:$0x10400] =	vst v63  }
0x212: {  	p1 =	por $0x1, $0x1;
	s28 =	sor.u32 $0x3400, s10;
	s29 =	sadd.s32 $0xEF0, s9  }
0x213: {  	[hbm4b:s29+s3] =	stream.linear.scatter [tilespmem:s28], [sflag:$0x1], $0x80, $0x38;
	[tilespmem:$0x10400] =	vst v63  }
0x214: {  	s12 =	simm.s32 @!p1 $0x1;
	s30 =	sor.u32 $0x3800, s10;
	s31 =	sadd.s32 $0xF70, s9  }
0x215: {  	[hbm4b:s31+s3] =	stream.linear.scatter [tilespmem:s30], [sflag:$0x1], $0x80, $0x38;
	[tilespmem:$0x10400] =	vst v63  }
0x216: {  	s11 =	simm.s32 $0x0;
	s10 =	sor.u32 $0x3C00, s10;
	s9 =	sadd.s32 $0xFF0, s9  }
0x217: {  	[hbm4b:s9+s3] =	stream.linear.scatter [tilespmem:s10], [sflag:$0x1], $0x80, $0x38;
	[tilespmem:$0x10400] =	vst v63  }
0x218: {  	s9 =	simm.s32 $0x1000;
	s10 =	simm.s32 $0x10010;
	_ =	swait.ge @!p1 [sflag:s12], $0x8000  }
.LBB2_2:
0x219: {  	[sflag:s12] =	ssyncset.done @!p1 $0x0  }
0x21a: {  	[sflag:s12] =	ssyncadd.s32 @!p1 $0xFFFF8000  }
0x21b: {  	v0 =	vld [tilespmem:s10+$0x0];
	_ =	sdelay $0x4  }
0x21c: {  	(v2sf) =	vpush v0, $0x0;
	_ =	sdelay $0xa  }
0x21d: {  	(v2sf) =	vpush v0, $0x1;
	_ =	sdelay $0x3  }
0x21e: {  	(v2sf) =	vpush v0, $0x2;
	s13 =	spop (v2sf)  }
0x21f: {  	s14 =	smov.u32 s9;
	s15 =	sshll.u32 s13, $0xB;
	s13 =	sshll.u32 s13, $0x7  }
0x220: {  	s20 =	rddreg [dreg:$0x4];
	s15 =	sand.u32 $0xFFFFC000, s15;
	s13 =	sand.u32 $0x380, s13  }
0x221: {  	s12 =	sadd.s32 s14, s20;
	s13 =	sor.u32 s13, s15  }
0x222: {  	[hbm4b:s12+s3] =	stream.linear.scatter [tilespmem:s13], [sflag:$0x1], $0x80, $0x38;
	[tilespmem:$0x10400] =	vst v63  }
0x223: {  	s22 =	sadd.s32 $0x80, s12;
	s24 =	sadd.s32 $0x100, s12;
	s15 =	sor.u32 $0x400, s13  }
0x224: {  	[hbm4b:s22+s3] =	stream.linear.scatter [tilespmem:s15], [sflag:$0x1], $0x80, $0x38;
	[tilespmem:$0x10400] =	vst v63  }
0x225: {  	s18 =	sadd.s32 $0x180, s12;
	s28 =	sadd.s32 $0x200, s12;
	s23 =	sor.u32 $0x800, s13  }
0x226: {  	[hbm4b:s24+s3] =	stream.linear.scatter [tilespmem:s23], [sflag:$0x1], $0x80, $0x38;
	[tilespmem:$0x10400] =	vst v63  }
0x227: {  	s31 =	sadd.s32 $0x280, s12;
	s2 =	sadd.s32 $0x300, s12;
	s25 =	sor.u32 $0xC00, s13  }
0x228: {  	[hbm4b:s18+s3] =	stream.linear.scatter [tilespmem:s25], [sflag:$0x1], $0x80, $0x38;
	[tilespmem:$0x10400] =	vst v63  }
0x229: {  	s20 =	sadd.s32 $0x380, s12;
	s16 =	spop (v2sf);
	s26 =	sor.u32 $0x1000, s13  }
0x22a: {  	[hbm4b:s28+s3] =	stream.linear.scatter [tilespmem:s26], [sflag:$0x1], $0x80, $0x38;
	[tilespmem:$0x10400] =	vst v63  }
0x22b: {  	s17 =	sshll.u32 s16, $0xB;
	s21 =	sshll.u32 s16, $0x7;
	s30 =	sor.u32 $0x1400, s13  }
0x22c: {  	(v2sf) =	vpush v0, $0x3;
	[hbm4b:s31+s3] =	stream.linear.scatter [tilespmem:s30], [sflag:$0x1], $0x80, $0x38;
	[tilespmem:$0x10400] =	vst v63  }
0x22d: {  	s29 =	spop (v2sf);
	s17 =	sand.u32 $0xFFFFC000, s17;
	s1 =	sor.u32 $0x1800, s13  }
0x22e: {  	[hbm4b:s2+s3] =	stream.linear.scatter [tilespmem:s1], [sflag:$0x1], $0x80, $0x38;
	[tilespmem:$0x10400] =	vst v63  }
0x22f: {  	s14 =	sand.u32 $0x380, s21;
	s0 =	sshll.u32 s29, $0xB;
	s19 =	sor.u32 $0x1C00, s13  }
0x230: {  	[hbm4b:s20+s3] =	stream.linear.scatter [tilespmem:s19], [sflag:$0x1], $0x80, $0x38;
	[tilespmem:$0x10400] =	vst v63  }
0x231: {  	s21 =	sor.u32 $0x2000, s13;
	s15 =	sor.u32 s14, s17;
	s22 =	sadd.s32 $0x400, s12  }
0x232: {  	[hbm4b:s22+s3] =	stream.linear.scatter [tilespmem:s21], [sflag:$0x1], $0x80, $0x38;
	[tilespmem:$0x10400] =	vst v63  }
0x233: {  	s17 =	sshll.u32 s29, $0x7;
	s23 =	sor.u32 $0x2400, s13;
	s19 =	sadd.s32 $0x480, s12  }
0x234: {  	[hbm4b:s19+s3] =	stream.linear.scatter [tilespmem:s23], [sflag:$0x1], $0x80, $0x38;
	[tilespmem:$0x10400] =	vst v63  }
0x235: {  	s29 =	sadd.s32 $0x580, s12;
	s24 =	sor.u32 $0x2800, s13;
	s25 =	sadd.s32 $0x500, s12  }
0x236: {  	[hbm4b:s25+s3] =	stream.linear.scatter [tilespmem:s24], [sflag:$0x1], $0x80, $0x38;
	[tilespmem:$0x10400] =	vst v63  }
0x237: {  	s17 =	sand.u32 $0x380, s17;
	s18 =	sand.u32 $0xFFFFC000, s0;
	s28 =	sor.u32 $0x2C00, s13  }
0x238: {  	(v2sf) =	vpush v0, $0x4;
	[hbm4b:s29+s3] =	stream.linear.scatter [tilespmem:s28], [sflag:$0x1], $0x80, $0x38;
	[tilespmem:$0x10400] =	vst v63  }
0x239: {  	s0 =	sadd.s32 $0x600, s12;
	s14 =	sor.u32 s17, s18;
	s31 =	sor.u32 $0x3000, s13  }
0x23a: {  	[hbm4b:s0+s3] =	stream.linear.scatter [tilespmem:s31], [sflag:$0x1], $0x80, $0x38;
	[tilespmem:$0x10400] =	vst v63  }
0x23b: {  	s26 =	spop (v2sf);
	s1 =	sor.u32 $0x3400, s13;
	s2 =	sadd.s32 $0x680, s12  }
0x23c: {  	[hbm4b:s2+s3] =	stream.linear.scatter [tilespmem:s1], [sflag:$0x1], $0x80, $0x38;
	[tilespmem:$0x10400] =	vst v63  }
0x23d: {  	s17 =	sor.u32 $0x3800, s13;
	s30 =	sshll.u32 s26, $0xB;
	s20 =	sadd.s32 $0x700, s12  }
0x23e: {  	[hbm4b:s20+s3] =	stream.linear.scatter [tilespmem:s17], [sflag:$0x1], $0x80, $0x38;
	[tilespmem:$0x10400] =	vst v63  }
0x23f: {  	s18 =	sshll.u32 s26, $0x7;
	s21 =	sor.u32 $0x3C00, s13;
	s22 =	sadd.s32 $0x780, s12  }
0x240: {  	(v2sf) =	vpush v0, $0x5;
	[hbm4b:s22+s3] =	stream.linear.scatter [tilespmem:s21], [sflag:$0x1], $0x80, $0x38;
	[tilespmem:$0x10400] =	vst v63  }
0x241: {  	s26 =	sadd.s32 $0x90, s12;
	s18 =	sand.u32 $0x380, s18;
	s23 =	sadd.s32 $0x10, s12  }
0x242: {  	[hbm4b:s23+s3] =	stream.linear.scatter [tilespmem:s15], [sflag:$0x1], $0x80, $0x38;
	[tilespmem:$0x10400] =	vst v63  }
0x243: {  	s19 =	sand.u32 $0xFFFFC000, s30;
	s30 =	sadd.s32 $0x110, s12;
	s25 =	sor.u32 $0x400, s15  }
0x244: {  	[hbm4b:s26+s3] =	stream.linear.scatter [tilespmem:s25], [sflag:$0x1], $0x80, $0x38;
	[tilespmem:$0x10400] =	vst v63  }
0x245: {  	s13 =	sor.u32 s18, s19;
	s18 =	sor.u32 $0x1400, s15;
	s29 =	sor.u32 $0x800, s15  }
0x246: {  	[hbm4b:s30+s3] =	stream.linear.scatter [tilespmem:s29], [sflag:$0x1], $0x80, $0x38;
	[tilespmem:$0x10400] =	vst v63  }
0x247: {  	s24 =	spop (v2sf);
	s31 =	sor.u32 $0xC00, s15;
	s0 =	sadd.s32 $0x190, s12  }
0x248: {  	[hbm4b:s0+s3] =	stream.linear.scatter [tilespmem:s31], [sflag:$0x1], $0x80, $0x38;
	[tilespmem:$0x10400] =	vst v63  }
0x249: {  	s28 =	sshll.u32 s24, $0xB;
	s1 =	sor.u32 $0x1000, s15;
	s2 =	sadd.s32 $0x210, s12  }
0x24a: {  	[hbm4b:s2+s3] =	stream.linear.scatter [tilespmem:s1], [sflag:$0x1], $0x80, $0x38;
	[tilespmem:$0x10400] =	vst v63  }
0x24b: {  	s19 =	sand.u32 $0xFFFFC000, s28;
	s28 =	sor.u32 $0x2000, s15;
	s20 =	sadd.s32 $0x290, s12  }
0x24c: {  	(v2sf) =	vpush v0, $0x6;
	[hbm4b:s20+s3] =	stream.linear.scatter [tilespmem:s18], [sflag:$0x1], $0x80, $0x38;
	[tilespmem:$0x10400] =	vst v63  }
0x24d: {  	s17 =	sshll.u32 s24, $0x7;
	s21 =	sor.u32 $0x1800, s15;
	s22 =	sadd.s32 $0x310, s12  }
0x24e: {  	[hbm4b:s22+s3] =	stream.linear.scatter [tilespmem:s21], [sflag:$0x1], $0x80, $0x38;
	[tilespmem:$0x10400] =	vst v63  }
0x24f: {  	s24 =	sor.u32 $0x1C00, s15;
	s23 =	spop (v2sf);
	s25 =	sadd.s32 $0x390, s12  }
0x250: {  	[hbm4b:s25+s3] =	stream.linear.scatter [tilespmem:s24], [sflag:$0x1], $0x80, $0x38;
	[tilespmem:$0x10400] =	vst v63  }
0x251: {  	s17 =	sand.u32 $0x380, s17;
	s26 =	sshll.u32 s23, $0xB;
	s29 =	sadd.s32 $0x410, s12  }
0x252: {  	[hbm4b:s29+s3] =	stream.linear.scatter [tilespmem:s28], [sflag:$0x1], $0x80, $0x38;
	[tilespmem:$0x10400] =	vst v63  }
0x253: {  	s30 =	sor.u32 s17, s19;
	s31 =	sor.u32 $0x2400, s15;
	s0 =	sadd.s32 $0x490, s12  }
0x254: {  	[hbm4b:s0+s3] =	stream.linear.scatter [tilespmem:s31], [sflag:$0x1], $0x80, $0x38;
	[tilespmem:$0x10400] =	vst v63  }
0x255: {  	s19 =	sand.u32 $0xFFFFC000, s26;
	s1 =	sor.u32 $0x2800, s15;
	s2 =	sadd.s32 $0x510, s12  }
0x256: {  	(v2sf) =	vpush v0, $0x7;
	[hbm4b:s2+s3] =	stream.linear.scatter [tilespmem:s1], [sflag:$0x1], $0x80, $0x38;
	[tilespmem:$0x10400] =	vst v63  }
0x257: {  	s26 =	sadd.s32 $0x690, s12;
	s20 =	sor.u32 $0x2C00, s15;
	s21 =	sadd.s32 $0x590, s12  }
0x258: {  	[hbm4b:s21+s3] =	stream.linear.scatter [tilespmem:s20], [sflag:$0x1], $0x80, $0x38;
	[tilespmem:$0x10400] =	vst v63  }
0x259: {  	s18 =	sshll.u32 s23, $0x7;
	s23 =	sadd.s32 $0x610, s12;
	s22 =	sor.u32 $0x3000, s15  }
0x25a: {  	[hbm4b:s23+s3] =	stream.linear.scatter [tilespmem:s22], [sflag:$0x1], $0x80, $0x38;
	[tilespmem:$0x10400] =	vst v63  }
0x25b: {  	s18 =	sand.u32 $0x380, s18;
	s24 =	spop (v2sf);
	s25 =	sor.u32 $0x3400, s15  }
0x25c: {  	[hbm4b:s26+s3] =	stream.linear.scatter [tilespmem:s25], [sflag:$0x1], $0x80, $0x38;
	[tilespmem:$0x10400] =	vst v63  }
0x25d: {  	s29 =	sor.u32 s18, s19;
	s31 =	sor.u32 $0x3800, s15;
	s0 =	sadd.s32 $0x710, s12  }
0x25e: {  	[hbm4b:s0+s3] =	stream.linear.scatter [tilespmem:s31], [sflag:$0x1], $0x80, $0x38;
	[tilespmem:$0x10400] =	vst v63  }
0x25f: {  	s28 =	sshll.u32 s24, $0xB;
	s15 =	sor.u32 $0x3C00, s15;
	s1 =	sadd.s32 $0x790, s12  }
0x260: {  	[hbm4b:s1+s3] =	stream.linear.scatter [tilespmem:s15], [sflag:$0x1], $0x80, $0x38;
	[tilespmem:$0x10400] =	vst v63  }
0x261: {  	s18 =	sshll.u32 s24, $0x7;
	s19 =	sadd.s32 $0x20, s12;
	s24 =	sor.u32 $0x800, s14  }
0x262: {  	(v2sf) =	vpush v0, $0x8;
	[hbm4b:s19+s3] =	stream.linear.scatter [tilespmem:s14], [sflag:$0x1], $0x80, $0x38;
	[tilespmem:$0x10400] =	vst v63  }
0x263: {  	s2 =	sand.u32 $0xFFFFC000, s28;
	s22 =	sor.u32 $0x400, s14;
	s23 =	sadd.s32 $0xA0, s12  }
0x264: {  	[hbm4b:s23+s3] =	stream.linear.scatter [tilespmem:s22], [sflag:$0x1], $0x80, $0x38;
	[tilespmem:$0x10400] =	vst v63  }
0x265: {  	s20 =	sand.u32 $0x380, s18;
	s21 =	spop (v2sf);
	s26 =	sadd.s32 $0x120, s12  }
0x266: {  	[hbm4b:s26+s3] =	stream.linear.scatter [tilespmem:s24], [sflag:$0x1], $0x80, $0x38;
	[tilespmem:$0x10400] =	vst v63  }
0x267: {  	s18 =	sshll.u32 s21, $0x7;
	s31 =	sor.u32 $0xC00, s14;
	s0 =	sadd.s32 $0x1A0, s12  }
0x268: {  	[hbm4b:s0+s3] =	stream.linear.scatter [tilespmem:s31], [sflag:$0x1], $0x80, $0x38;
	[tilespmem:$0x10400] =	vst v63  }
0x269: {  	s25 =	sor.u32 s20, s2;
	s2 =	sadd.s32 $0x220, s12;
	s1 =	sor.u32 $0x1000, s14  }
0x26a: {  	[hbm4b:s2+s3] =	stream.linear.scatter [tilespmem:s1], [sflag:$0x1], $0x80, $0x38;
	[tilespmem:$0x10400] =	vst v63  }
0x26b: {  	s16 =	sor.u32 $0x1400, s14;
	s26 =	sand.u32 $0x380, s18;
	s18 =	sadd.s32 $0x2A0, s12  }
0x26c: {  	[hbm4b:s18+s3] =	stream.linear.scatter [tilespmem:s16], [sflag:$0x1], $0x80, $0x38;
	[tilespmem:$0x10400] =	vst v63  }
0x26d: {  	s20 =	sadd.s32 $0x320, s12;
	s19 =	sor.u32 $0x1800, s14  }
0x26e: {  	[hbm4b:s20+s3] =	stream.linear.scatter [tilespmem:s19], [sflag:$0x1], $0x80, $0x38;
	[tilespmem:$0x10400] =	vst v63  }
0x26f: {  	s28 =	sshll.u32 s21, $0xB;
	s22 =	sor.u32 $0x1C00, s14;
	s23 =	sadd.s32 $0x3A0, s12  }
0x270: {  	(v2sf) =	vpush v0, $0x9;
	[hbm4b:s23+s3] =	stream.linear.scatter [tilespmem:s22], [sflag:$0x1], $0x80, $0x38;
	[tilespmem:$0x10400] =	vst v63  }
0x271: {  	s21 =	spop (v2sf);
	s31 =	sor.u32 $0x2000, s14;
	s0 =	sadd.s32 $0x420, s12  }
0x272: {  	[hbm4b:s0+s3] =	stream.linear.scatter [tilespmem:s31], [sflag:$0x1], $0x80, $0x38;
	[tilespmem:$0x10400] =	vst v63  }
0x273: {  	s17 =	sshll.u32 s21, $0x7;
	s1 =	sor.u32 $0x2400, s14;
	s2 =	sadd.s32 $0x4A0, s12  }
0x274: {  	(v2sf) =	vpush v0, $0xA;
	[hbm4b:s2+s3] =	stream.linear.scatter [tilespmem:s1], [sflag:$0x1], $0x80, $0x38;
	[tilespmem:$0x10400] =	vst v63  }
0x275: {  	s17 =	sand.u32 $0x380, s17;
	s16 =	sor.u32 $0x2800, s14;
	s19 =	sadd.s32 $0x520, s12  }
0x276: {  	[hbm4b:s19+s3] =	stream.linear.scatter [tilespmem:s16], [sflag:$0x1], $0x80, $0x38;
	[tilespmem:$0x10400] =	vst v63  }
0x277: {  	s24 =	sshll.u32 s21, $0xB;
	s21 =	sadd.s32 $0x5A0, s12;
	s20 =	sor.u32 $0x2C00, s14  }
0x278: {  	[hbm4b:s21+s3] =	stream.linear.scatter [tilespmem:s20], [sflag:$0x1], $0x80, $0x38;
	[tilespmem:$0x10400] =	vst v63  }
0x279: {  	s18 =	sand.u32 $0xFFFFC000, s24;
	s24 =	sadd.s32 $0x620, s12;
	s23 =	sor.u32 $0x3000, s14  }
0x27a: {  	[hbm4b:s24+s3] =	stream.linear.scatter [tilespmem:s23], [sflag:$0x1], $0x80, $0x38;
	[tilespmem:$0x10400] =	vst v63  }
0x27b: {  	s22 =	sor.u32 s17, s18;
	s0 =	sor.u32 $0x3400, s14;
	s1 =	sadd.s32 $0x6A0, s12  }
0x27c: {  	[hbm4b:s1+s3] =	stream.linear.scatter [tilespmem:s0], [sflag:$0x1], $0x80, $0x38;
	[tilespmem:$0x10400] =	vst v63  }
0x27d: {  	s18 =	sor.u32 $0x800, s13;
	s16 =	sor.u32 $0x3800, s14;
	s19 =	sadd.s32 $0x720, s12  }
0x27e: {  	[hbm4b:s19+s3] =	stream.linear.scatter [tilespmem:s16], [sflag:$0x1], $0x80, $0x38;
	[tilespmem:$0x10400] =	vst v63  }
0x27f: {  	s31 =	spop (v2sf);
	s14 =	sor.u32 $0x3C00, s14;
	s20 =	sadd.s32 $0x7A0, s12  }
0x280: {  	[hbm4b:s20+s3] =	stream.linear.scatter [tilespmem:s14], [sflag:$0x1], $0x80, $0x38;
	[tilespmem:$0x10400] =	vst v63  }
0x281: {  	s2 =	sshll.u32 s31, $0xB;
	s21 =	sadd.s32 $0x30, s12;
	s24 =	sshll.u32 s31, $0x7  }
0x282: {  	(v2sf) =	vpush v0, $0xB;
	[hbm4b:s21+s3] =	stream.linear.scatter [tilespmem:s13], [sflag:$0x1], $0x80, $0x38;
	[tilespmem:$0x10400] =	vst v63  }
0x283: {  	s31 =	spop (v2sf);
	s0 =	sor.u32 $0x400, s13;
	s1 =	sadd.s32 $0xB0, s12  }
0x284: {  	[hbm4b:s1+s3] =	stream.linear.scatter [tilespmem:s0], [sflag:$0x1], $0x80, $0x38;
	[tilespmem:$0x10400] =	vst v63  }
0x285: {  	s23 =	sand.u32 $0xFFFFC000, s2;
	s2 =	sshll.u32 s31, $0xB;
	s19 =	sadd.s32 $0x130, s12  }
0x286: {  	[hbm4b:s19+s3] =	stream.linear.scatter [tilespmem:s18], [sflag:$0x1], $0x80, $0x38;
	[tilespmem:$0x10400] =	vst v63  }
0x287: {  	s15 =	sshll.u32 s31, $0x7;
	s20 =	sor.u32 $0xC00, s13;
	s21 =	sadd.s32 $0x1B0, s12  }
0x288: {  	[hbm4b:s21+s3] =	stream.linear.scatter [tilespmem:s20], [sflag:$0x1], $0x80, $0x38;
	[tilespmem:$0x10400] =	vst v63  }
0x289: {  	s31 =	sor.u32 $0x1000, s13;
	s17 =	sand.u32 $0xFFFFC000, s2;
	s0 =	sadd.s32 $0x230, s12  }
0x28a: {  	[hbm4b:s0+s3] =	stream.linear.scatter [tilespmem:s31], [sflag:$0x1], $0x80, $0x38;
	[tilespmem:$0x10400] =	vst v63  }
0x28b: {  	s15 =	sand.u32 $0x380, s15;
	s2 =	sadd.s32 $0x2B0, s12;
	s1 =	sor.u32 $0x1400, s13  }
0x28c: {  	[hbm4b:s2+s3] =	stream.linear.scatter [tilespmem:s1], [sflag:$0x1], $0x80, $0x38;
	[tilespmem:$0x10400] =	vst v63  }
0x28d: {  	s21 =	sor.u32 s15, s17;
	s15 =	sor.u32 $0x1800, s13;
	s17 =	sadd.s32 $0x330, s12  }
0x28e: {  	(v2sf) =	vpush v0, $0xC;
	[hbm4b:s17+s3] =	stream.linear.scatter [tilespmem:s15], [sflag:$0x1], $0x80, $0x38;
	[tilespmem:$0x10400] =	vst v63  }
0x28f: {  	s18 =	sor.u32 $0x1C00, s13;
	s19 =	sadd.s32 $0x3B0, s12  }
0x290: {  	[hbm4b:s19+s3] =	stream.linear.scatter [tilespmem:s18], [sflag:$0x1], $0x80, $0x38;
	[tilespmem:$0x10400] =	vst v63  }
0x291: {  	s16 =	spop (v2sf);
	s31 =	sor.u32 $0x2000, s13;
	s0 =	sadd.s32 $0x430, s12  }
0x292: {  	[hbm4b:s0+s3] =	stream.linear.scatter [tilespmem:s31], [sflag:$0x1], $0x80, $0x38;
	[tilespmem:$0x10400] =	vst v63  }
0x293: {  	s20 =	sshll.u32 s16, $0xB;
	s1 =	sor.u32 $0x2400, s13;
	s2 =	sadd.s32 $0x4B0, s12  }
0x294: {  	[hbm4b:s2+s3] =	stream.linear.scatter [tilespmem:s1], [sflag:$0x1], $0x80, $0x38;
	[tilespmem:$0x10400] =	vst v63  }
0x295: {  	s16 =	sshll.u32 s16, $0x7;
	s18 =	sor.u32 $0x2800, s13;
	s19 =	sadd.s32 $0x530, s12  }
0x296: {  	(v2sf) =	vpush v0, $0xD;
	[hbm4b:s19+s3] =	stream.linear.scatter [tilespmem:s18], [sflag:$0x1], $0x80, $0x38;
	[tilespmem:$0x10400] =	vst v63  }
0x297: {  	s17 =	sand.u32 $0xFFFFC000, s20;
	s20 =	sor.u32 $0x2C00, s13;
	s31 =	sadd.s32 $0x5B0, s12  }
0x298: {  	[hbm4b:s31+s3] =	stream.linear.scatter [tilespmem:s20], [sflag:$0x1], $0x80, $0x38;
	[tilespmem:$0x10400] =	vst v63  }
0x299: {  	s16 =	sand.u32 $0x380, s16;
	s0 =	sor.u32 $0x3000, s13;
	s1 =	sadd.s32 $0x630, s12  }
0x29a: {  	[hbm4b:s1+s3] =	stream.linear.scatter [tilespmem:s0], [sflag:$0x1], $0x80, $0x38;
	[tilespmem:$0x10400] =	vst v63  }
0x29b: {  	s18 =	sor.u32 s16, s17;
	s17 =	sor.u32 $0x3400, s13;
	s19 =	sadd.s32 $0x6B0, s12  }
0x29c: {  	[hbm4b:s19+s3] =	stream.linear.scatter [tilespmem:s17], [sflag:$0x1], $0x80, $0x38;
	[tilespmem:$0x10400] =	vst v63  }
0x29d: {  	s2 =	spop (v2sf);
	s31 =	sor.u32 $0x3800, s13;
	s0 =	sadd.s32 $0x730, s12  }
0x29e: {  	(v2sf) =	vpush v0, $0xE;
	[hbm4b:s0+s3] =	stream.linear.scatter [tilespmem:s31], [sflag:$0x1], $0x80, $0x38;
	[tilespmem:$0x10400] =	vst v63  }
0x29f: {  	s13 =	sor.u32 $0x3C00, s13;
	s1 =	sadd.s32 $0x7B0, s12  }
0x2a0: {  	[hbm4b:s1+s3] =	stream.linear.scatter [tilespmem:s13], [sflag:$0x1], $0x80, $0x38;
	[tilespmem:$0x10400] =	vst v63  }
0x2a1: {  	s20 =	sshll.u32 s2, $0xB;
	s19 =	sshll.u32 s2, $0x7;
	s2 =	sadd.s32 $0x40, s12  }
0x2a2: {  	[hbm4b:s2+s3] =	stream.linear.scatter [tilespmem:s30], [sflag:$0x1], $0x80, $0x38;
	[tilespmem:$0x10400] =	vst v63  }
0x2a3: {  	s15 =	sor.u32 $0x400, s30;
	s16 =	sadd.s32 $0xC0, s12  }
0x2a4: {  	[hbm4b:s16+s3] =	stream.linear.scatter [tilespmem:s15], [sflag:$0x1], $0x80, $0x38;
	[tilespmem:$0x10400] =	vst v63  }
0x2a5: {  	s14 =	spop (v2sf);
	s31 =	sor.u32 $0x800, s30;
	s0 =	sadd.s32 $0x140, s12  }
0x2a6: {  	[hbm4b:s0+s3] =	stream.linear.scatter [tilespmem:s31], [sflag:$0x1], $0x80, $0x38;
	[tilespmem:$0x10400] =	vst v63  }
0x2a7: {  	s17 =	sshll.u32 s14, $0xB;
	s1 =	sor.u32 $0xC00, s30;
	s2 =	sadd.s32 $0x1C0, s12  }
0x2a8: {  	(v2sf) =	vpush v0, $0xF;
	[hbm4b:s2+s3] =	stream.linear.scatter [tilespmem:s1], [sflag:$0x1], $0x80, $0x38;
	[tilespmem:$0x10400] =	vst v63  }
0x2a9: {  	s13 =	sor.u32 $0x2000, s30;
	s31 =	sor.u32 $0x1000, s30;
	s0 =	sadd.s32 $0x240, s12  }
0x2aa: {  	[hbm4b:s0+s3] =	stream.linear.scatter [tilespmem:s31], [sflag:$0x1], $0x80, $0x38;
	[tilespmem:$0x10400] =	vst v63  }
0x2ab: {  	s16 =	sand.u32 $0xFFFFC000, s17;
	s1 =	sor.u32 $0x1400, s30;
	s2 =	sadd.s32 $0x2C0, s12  }
0x2ac: {  	[hbm4b:s2+s3] =	stream.linear.scatter [tilespmem:s1], [sflag:$0x1], $0x80, $0x38;
	[tilespmem:$0x10400] =	vst v63  }
0x2ad: {  	s15 =	spop (v2sf);
	s0 =	sor.u32 $0x1800, s30;
	s1 =	sadd.s32 $0x340, s12  }
0x2ae: {  	[hbm4b:s1+s3] =	stream.linear.scatter [tilespmem:s0], [sflag:$0x1], $0x80, $0x38;
	[tilespmem:$0x10400] =	vst v63  }
0x2af: {  	s31 =	sshll.u32 s15, $0xB;
	s2 =	sor.u32 $0x1C00, s30;
	s0 =	sadd.s32 $0x3C0, s12  }
0x2b0: {  	[hbm4b:s0+s3] =	stream.linear.scatter [tilespmem:s2], [sflag:$0x1], $0x80, $0x38;
	[tilespmem:$0x10400] =	vst v63  }
0x2b1: {  	s17 =	sshll.u32 s14, $0x7;
	s14 =	sand.u32 $0xFFFFC000, s31;
	s31 =	sadd.s32 $0x440, s12  }
0x2b2: {  	[hbm4b:s31+s3] =	stream.linear.scatter [tilespmem:s13], [sflag:$0x1], $0x80, $0x38;
	[tilespmem:$0x10400] =	vst v63  }
0x2b3: {  	s1 =	sor.u32 $0x2400, s30;
	s2 =	sadd.s32 $0x4C0, s12  }
0x2b4: {  	[hbm4b:s2+s3] =	stream.linear.scatter [tilespmem:s1], [sflag:$0x1], $0x80, $0x38;
	[tilespmem:$0x10400] =	vst v63  }
0x2b5: {  	s0 =	sor.u32 $0x3800, s30;
	s13 =	sor.u32 $0x2800, s30;
	s1 =	sadd.s32 $0x540, s12  }
0x2b6: {  	[hbm4b:s1+s3] =	stream.linear.scatter [tilespmem:s13], [sflag:$0x1], $0x80, $0x38;
	[tilespmem:$0x10400] =	vst v63  }
0x2b7: {  	s31 =	spop (v2sf);
	s13 =	sor.u32 $0x2C00, s30;
	s1 =	sadd.s32 $0x5C0, s12  }
0x2b8: {  	[hbm4b:s1+s3] =	stream.linear.scatter [tilespmem:s13], [sflag:$0x1], $0x80, $0x38;
	[tilespmem:$0x10400] =	vst v63  }
0x2b9: {  	s2 =	sshll.u32 s31, $0xB;
	s13 =	sor.u32 $0x3000, s30;
	s1 =	sadd.s32 $0x640, s12  }
0x2ba: {  	[hbm4b:s1+s3] =	stream.linear.scatter [tilespmem:s13], [sflag:$0x1], $0x80, $0x38;
	[tilespmem:$0x10400] =	vst v63  }
0x2bb: {  	s31 =	sshll.u32 s31, $0x7;
	s13 =	sor.u32 $0x3400, s30;
	s1 =	sadd.s32 $0x6C0, s12  }
0x2bc: {  	[hbm4b:s1+s3] =	stream.linear.scatter [tilespmem:s13], [sflag:$0x1], $0x80, $0x38;
	[tilespmem:$0x10400] =	vst v63  }
0x2bd: {  	s2 =	sand.u32 $0xFFFFC000, s2;
	s31 =	sand.u32 $0x380, s31;
	s1 =	sadd.s32 $0x740, s12  }
0x2be: {  	[hbm4b:s1+s3] =	stream.linear.scatter [tilespmem:s0], [sflag:$0x1], $0x80, $0x38;
	[tilespmem:$0x10400] =	vst v63  }
0x2bf: {  	s13 =	sor.u32 s31, s2;
	s2 =	sor.u32 $0x3C00, s30;
	s30 =	sadd.s32 $0x7C0, s12  }
0x2c0: {  	[hbm4b:s30+s3] =	stream.linear.scatter [tilespmem:s2], [sflag:$0x1], $0x80, $0x38;
	[tilespmem:$0x10400] =	vst v63  }
0x2c1: {  	s31 =	sadd.s32 $0x50, s12  }
0x2c2: {  	[hbm4b:s31+s3] =	stream.linear.scatter [tilespmem:s29], [sflag:$0x1], $0x80, $0x38;
	[tilespmem:$0x10400] =	vst v63  }
0x2c3: {  	s1 =	sor.u32 $0x400, s29;
	s2 =	sadd.s32 $0xD0, s12  }
0x2c4: {  	[hbm4b:s2+s3] =	stream.linear.scatter [tilespmem:s1], [sflag:$0x1], $0x80, $0x38;
	[tilespmem:$0x10400] =	vst v63  }
0x2c5: {  	s30 =	sor.u32 $0x800, s29;
	s31 =	sadd.s32 $0x150, s12  }
0x2c6: {  	[hbm4b:s31+s3] =	stream.linear.scatter [tilespmem:s30], [sflag:$0x1], $0x80, $0x38;
	[tilespmem:$0x10400] =	vst v63  }
0x2c7: {  	s1 =	sor.u32 $0xC00, s29;
	s2 =	sadd.s32 $0x1D0, s12  }
0x2c8: {  	[hbm4b:s2+s3] =	stream.linear.scatter [tilespmem:s1], [sflag:$0x1], $0x80, $0x38;
	[tilespmem:$0x10400] =	vst v63  }
0x2c9: {  	s30 =	sor.u32 $0x1000, s29;
	s31 =	sadd.s32 $0x250, s12  }
0x2ca: {  	[hbm4b:s31+s3] =	stream.linear.scatter [tilespmem:s30], [sflag:$0x1], $0x80, $0x38;
	[tilespmem:$0x10400] =	vst v63  }
0x2cb: {  	s1 =	sor.u32 $0x1400, s29;
	s2 =	sadd.s32 $0x2D0, s12  }
0x2cc: {  	[hbm4b:s2+s3] =	stream.linear.scatter [tilespmem:s1], [sflag:$0x1], $0x80, $0x38;
	[tilespmem:$0x10400] =	vst v63  }
0x2cd: {  	s30 =	sor.u32 $0x1800, s29;
	s31 =	sadd.s32 $0x350, s12  }
0x2ce: {  	[hbm4b:s31+s3] =	stream.linear.scatter [tilespmem:s30], [sflag:$0x1], $0x80, $0x38;
	[tilespmem:$0x10400] =	vst v63  }
0x2cf: {  	s1 =	sor.u32 $0x1C00, s29;
	s2 =	sadd.s32 $0x3D0, s12  }
0x2d0: {  	[hbm4b:s2+s3] =	stream.linear.scatter [tilespmem:s1], [sflag:$0x1], $0x80, $0x38;
	[tilespmem:$0x10400] =	vst v63  }
0x2d1: {  	s30 =	sor.u32 $0x2000, s29;
	s31 =	sadd.s32 $0x450, s12  }
0x2d2: {  	[hbm4b:s31+s3] =	stream.linear.scatter [tilespmem:s30], [sflag:$0x1], $0x80, $0x38;
	[tilespmem:$0x10400] =	vst v63  }
0x2d3: {  	s1 =	sor.u32 $0x2400, s29;
	s2 =	sadd.s32 $0x4D0, s12  }
0x2d4: {  	[hbm4b:s2+s3] =	stream.linear.scatter [tilespmem:s1], [sflag:$0x1], $0x80, $0x38;
	[tilespmem:$0x10400] =	vst v63  }
0x2d5: {  	s30 =	sor.u32 $0x2800, s29;
	s31 =	sadd.s32 $0x550, s12  }
0x2d6: {  	[hbm4b:s31+s3] =	stream.linear.scatter [tilespmem:s30], [sflag:$0x1], $0x80, $0x38;
	[tilespmem:$0x10400] =	vst v63  }
0x2d7: {  	s1 =	sor.u32 $0x2C00, s29;
	s2 =	sadd.s32 $0x5D0, s12  }
0x2d8: {  	[hbm4b:s2+s3] =	stream.linear.scatter [tilespmem:s1], [sflag:$0x1], $0x80, $0x38;
	[tilespmem:$0x10400] =	vst v63  }
0x2d9: {  	s30 =	sor.u32 $0x3000, s29;
	s31 =	sadd.s32 $0x650, s12  }
0x2da: {  	[hbm4b:s31+s3] =	stream.linear.scatter [tilespmem:s30], [sflag:$0x1], $0x80, $0x38;
	[tilespmem:$0x10400] =	vst v63  }
0x2db: {  	s1 =	sor.u32 $0x3400, s29;
	s2 =	sadd.s32 $0x6D0, s12  }
0x2dc: {  	[hbm4b:s2+s3] =	stream.linear.scatter [tilespmem:s1], [sflag:$0x1], $0x80, $0x38;
	[tilespmem:$0x10400] =	vst v63  }
0x2dd: {  	s30 =	sor.u32 $0x3800, s29;
	s31 =	sadd.s32 $0x750, s12  }
0x2de: {  	[hbm4b:s31+s3] =	stream.linear.scatter [tilespmem:s30], [sflag:$0x1], $0x80, $0x38;
	[tilespmem:$0x10400] =	vst v63  }
0x2df: {  	s1 =	sor.u32 $0x3C00, s29;
	s2 =	sadd.s32 $0x7D0, s12  }
0x2e0: {  	[hbm4b:s2+s3] =	stream.linear.scatter [tilespmem:s1], [sflag:$0x1], $0x80, $0x38;
	[tilespmem:$0x10400] =	vst v63  }
0x2e1: {  	s29 =	sadd.s32 $0x60, s12  }
0x2e2: {  	[hbm4b:s29+s3] =	stream.linear.scatter [tilespmem:s25], [sflag:$0x1], $0x80, $0x38;
	[tilespmem:$0x10400] =	vst v63  }
0x2e3: {  	s30 =	sor.u32 $0x400, s25;
	s31 =	sadd.s32 $0xE0, s12  }
0x2e4: {  	[hbm4b:s31+s3] =	stream.linear.scatter [tilespmem:s30], [sflag:$0x1], $0x80, $0x38;
	[tilespmem:$0x10400] =	vst v63  }
0x2e5: {  	s2 =	sor.u32 $0x800, s25;
	s29 =	sadd.s32 $0x160, s12  }
0x2e6: {  	[hbm4b:s29+s3] =	stream.linear.scatter [tilespmem:s2], [sflag:$0x1], $0x80, $0x38;
	[tilespmem:$0x10400] =	vst v63  }
0x2e7: {  	s30 =	sor.u32 $0xC00, s25;
	s31 =	sadd.s32 $0x1E0, s12  }
0x2e8: {  	[hbm4b:s31+s3] =	stream.linear.scatter [tilespmem:s30], [sflag:$0x1], $0x80, $0x38;
	[tilespmem:$0x10400] =	vst v63  }
0x2e9: {  	s2 =	sor.u32 $0x1000, s25;
	s29 =	sadd.s32 $0x260, s12  }
0x2ea: {  	[hbm4b:s29+s3] =	stream.linear.scatter [tilespmem:s2], [sflag:$0x1], $0x80, $0x38;
	[tilespmem:$0x10400] =	vst v63  }
0x2eb: {  	s30 =	sor.u32 $0x1400, s25;
	s31 =	sadd.s32 $0x2E0, s12  }
0x2ec: {  	[hbm4b:s31+s3] =	stream.linear.scatter [tilespmem:s30], [sflag:$0x1], $0x80, $0x38;
	[tilespmem:$0x10400] =	vst v63  }
0x2ed: {  	s2 =	sor.u32 $0x1800, s25;
	s29 =	sadd.s32 $0x360, s12  }
0x2ee: {  	[hbm4b:s29+s3] =	stream.linear.scatter [tilespmem:s2], [sflag:$0x1], $0x80, $0x38;
	[tilespmem:$0x10400] =	vst v63  }
0x2ef: {  	s30 =	sor.u32 $0x1C00, s25;
	s31 =	sadd.s32 $0x3E0, s12  }
0x2f0: {  	[hbm4b:s31+s3] =	stream.linear.scatter [tilespmem:s30], [sflag:$0x1], $0x80, $0x38;
	[tilespmem:$0x10400] =	vst v63  }
0x2f1: {  	s2 =	sor.u32 $0x2000, s25;
	s29 =	sadd.s32 $0x460, s12  }
0x2f2: {  	[hbm4b:s29+s3] =	stream.linear.scatter [tilespmem:s2], [sflag:$0x1], $0x80, $0x38;
	[tilespmem:$0x10400] =	vst v63  }
0x2f3: {  	s30 =	sor.u32 $0x2400, s25;
	s31 =	sadd.s32 $0x4E0, s12  }
0x2f4: {  	[hbm4b:s31+s3] =	stream.linear.scatter [tilespmem:s30], [sflag:$0x1], $0x80, $0x38;
	[tilespmem:$0x10400] =	vst v63  }
0x2f5: {  	s2 =	sor.u32 $0x2800, s25;
	s29 =	sadd.s32 $0x560, s12  }
0x2f6: {  	[hbm4b:s29+s3] =	stream.linear.scatter [tilespmem:s2], [sflag:$0x1], $0x80, $0x38;
	[tilespmem:$0x10400] =	vst v63  }
0x2f7: {  	s30 =	sor.u32 $0x2C00, s25;
	s31 =	sadd.s32 $0x5E0, s12  }
0x2f8: {  	[hbm4b:s31+s3] =	stream.linear.scatter [tilespmem:s30], [sflag:$0x1], $0x80, $0x38;
	[tilespmem:$0x10400] =	vst v63  }
0x2f9: {  	s2 =	sor.u32 $0x3000, s25;
	s29 =	sadd.s32 $0x660, s12  }
0x2fa: {  	[hbm4b:s29+s3] =	stream.linear.scatter [tilespmem:s2], [sflag:$0x1], $0x80, $0x38;
	[tilespmem:$0x10400] =	vst v63  }
0x2fb: {  	s30 =	sor.u32 $0x3400, s25;
	s31 =	sadd.s32 $0x6E0, s12  }
0x2fc: {  	[hbm4b:s31+s3] =	stream.linear.scatter [tilespmem:s30], [sflag:$0x1], $0x80, $0x38;
	[tilespmem:$0x10400] =	vst v63  }
0x2fd: {  	s2 =	sor.u32 $0x3800, s25;
	s29 =	sadd.s32 $0x760, s12  }
0x2fe: {  	[hbm4b:s29+s3] =	stream.linear.scatter [tilespmem:s2], [sflag:$0x1], $0x80, $0x38;
	[tilespmem:$0x10400] =	vst v63  }
0x2ff: {  	s28 =	sand.u32 $0xFFFFC000, s28;
	s30 =	sor.u32 $0x3C00, s25;
	s31 =	sadd.s32 $0x7E0, s12  }
0x300: {  	[hbm4b:s31+s3] =	stream.linear.scatter [tilespmem:s30], [sflag:$0x1], $0x80, $0x38;
	[tilespmem:$0x10400] =	vst v63  }
0x301: {  	s1 =	sadd.s32 $0x70, s12;
	s25 =	sor.u32 s26, s28  }
0x302: {  	[hbm4b:s1+s3] =	stream.linear.scatter [tilespmem:s25], [sflag:$0x1], $0x80, $0x38;
	[tilespmem:$0x10400] =	vst v63  }
0x303: {  	s26 =	sadd.s32 $0xF0, s12;
	s2 =	sor.u32 $0x400, s25  }
0x304: {  	[hbm4b:s26+s3] =	stream.linear.scatter [tilespmem:s2], [sflag:$0x1], $0x80, $0x38;
	[tilespmem:$0x10400] =	vst v63  }
0x305: {  	s28 =	sor.u32 $0x800, s25;
	s29 =	sadd.s32 $0x170, s12  }
0x306: {  	[hbm4b:s29+s3] =	stream.linear.scatter [tilespmem:s28], [sflag:$0x1], $0x80, $0x38;
	[tilespmem:$0x10400] =	vst v63  }
0x307: {  	s30 =	sor.u32 $0xC00, s25;
	s31 =	sadd.s32 $0x1F0, s12  }
0x308: {  	[hbm4b:s31+s3] =	stream.linear.scatter [tilespmem:s30], [sflag:$0x1], $0x80, $0x38;
	[tilespmem:$0x10400] =	vst v63  }
0x309: {  	s2 =	sor.u32 $0x1000, s25;
	s26 =	sadd.s32 $0x270, s12  }
0x30a: {  	[hbm4b:s26+s3] =	stream.linear.scatter [tilespmem:s2], [sflag:$0x1], $0x80, $0x38;
	[tilespmem:$0x10400] =	vst v63  }
0x30b: {  	s28 =	sor.u32 $0x1400, s25;
	s29 =	sadd.s32 $0x2F0, s12  }
0x30c: {  	[hbm4b:s29+s3] =	stream.linear.scatter [tilespmem:s28], [sflag:$0x1], $0x80, $0x38;
	[tilespmem:$0x10400] =	vst v63  }
0x30d: {  	s30 =	sor.u32 $0x1800, s25;
	s31 =	sadd.s32 $0x370, s12  }
0x30e: {  	[hbm4b:s31+s3] =	stream.linear.scatter [tilespmem:s30], [sflag:$0x1], $0x80, $0x38;
	[tilespmem:$0x10400] =	vst v63  }
0x30f: {  	s2 =	sor.u32 $0x1C00, s25;
	s26 =	sadd.s32 $0x3F0, s12  }
0x310: {  	[hbm4b:s26+s3] =	stream.linear.scatter [tilespmem:s2], [sflag:$0x1], $0x80, $0x38;
	[tilespmem:$0x10400] =	vst v63  }
0x311: {  	s28 =	sor.u32 $0x2000, s25;
	s29 =	sadd.s32 $0x470, s12  }
0x312: {  	[hbm4b:s29+s3] =	stream.linear.scatter [tilespmem:s28], [sflag:$0x1], $0x80, $0x38;
	[tilespmem:$0x10400] =	vst v63  }
0x313: {  	s30 =	sor.u32 $0x2400, s25;
	s31 =	sadd.s32 $0x4F0, s12  }
0x314: {  	[hbm4b:s31+s3] =	stream.linear.scatter [tilespmem:s30], [sflag:$0x1], $0x80, $0x38;
	[tilespmem:$0x10400] =	vst v63  }
0x315: {  	s2 =	sor.u32 $0x2800, s25;
	s26 =	sadd.s32 $0x570, s12  }
0x316: {  	[hbm4b:s26+s3] =	stream.linear.scatter [tilespmem:s2], [sflag:$0x1], $0x80, $0x38;
	[tilespmem:$0x10400] =	vst v63  }
0x317: {  	s28 =	sor.u32 $0x2C00, s25;
	s29 =	sadd.s32 $0x5F0, s12  }
0x318: {  	[hbm4b:s29+s3] =	stream.linear.scatter [tilespmem:s28], [sflag:$0x1], $0x80, $0x38;
	[tilespmem:$0x10400] =	vst v63  }
0x319: {  	s30 =	sor.u32 $0x3000, s25;
	s31 =	sadd.s32 $0x670, s12  }
0x31a: {  	[hbm4b:s31+s3] =	stream.linear.scatter [tilespmem:s30], [sflag:$0x1], $0x80, $0x38;
	[tilespmem:$0x10400] =	vst v63  }
0x31b: {  	s1 =	sor.u32 $0x3400, s25;
	s2 =	sadd.s32 $0x6F0, s12  }
0x31c: {  	[hbm4b:s2+s3] =	stream.linear.scatter [tilespmem:s1], [sflag:$0x1], $0x80, $0x38;
	[tilespmem:$0x10400] =	vst v63  }
0x31d: {  	s26 =	sor.u32 $0x3800, s25;
	s28 =	sadd.s32 $0x770, s12  }
0x31e: {  	[hbm4b:s28+s3] =	stream.linear.scatter [tilespmem:s26], [sflag:$0x1], $0x80, $0x38;
	[tilespmem:$0x10400] =	vst v63  }
0x31f: {  	s29 =	sor.u32 $0x3C00, s25;
	s30 =	sadd.s32 $0x7F0, s12  }
0x320: {  	[hbm4b:s30+s3] =	stream.linear.scatter [tilespmem:s29], [sflag:$0x1], $0x80, $0x38;
	[tilespmem:$0x10400] =	vst v63  }
0x321: {  	s31 =	sadd.s32 $0x800, s12  }
0x322: {  	[hbm4b:s31+s3] =	stream.linear.scatter [tilespmem:s22], [sflag:$0x1], $0x80, $0x38;
	[tilespmem:$0x10400] =	vst v63  }
0x323: {  	s1 =	sor.u32 $0x400, s22;
	s2 =	sadd.s32 $0x880, s12  }
0x324: {  	[hbm4b:s2+s3] =	stream.linear.scatter [tilespmem:s1], [sflag:$0x1], $0x80, $0x38;
	[tilespmem:$0x10400] =	vst v63  }
0x325: {  	s25 =	sor.u32 $0x800, s22;
	s26 =	sadd.s32 $0x900, s12  }
0x326: {  	[hbm4b:s26+s3] =	stream.linear.scatter [tilespmem:s25], [sflag:$0x1], $0x80, $0x38;
	[tilespmem:$0x10400] =	vst v63  }
0x327: {  	s28 =	sor.u32 $0xC00, s22;
	s29 =	sadd.s32 $0x980, s12  }
0x328: {  	[hbm4b:s29+s3] =	stream.linear.scatter [tilespmem:s28], [sflag:$0x1], $0x80, $0x38;
	[tilespmem:$0x10400] =	vst v63  }
0x329: {  	s30 =	sor.u32 $0x1000, s22;
	s31 =	sadd.s32 $0xA00, s12  }
0x32a: {  	[hbm4b:s31+s3] =	stream.linear.scatter [tilespmem:s30], [sflag:$0x1], $0x80, $0x38;
	[tilespmem:$0x10400] =	vst v63  }
0x32b: {  	s1 =	sor.u32 $0x1400, s22;
	s2 =	sadd.s32 $0xA80, s12  }
0x32c: {  	[hbm4b:s2+s3] =	stream.linear.scatter [tilespmem:s1], [sflag:$0x1], $0x80, $0x38;
	[tilespmem:$0x10400] =	vst v63  }
0x32d: {  	s25 =	sor.u32 $0x1800, s22;
	s26 =	sadd.s32 $0xB00, s12  }
0x32e: {  	[hbm4b:s26+s3] =	stream.linear.scatter [tilespmem:s25], [sflag:$0x1], $0x80, $0x38;
	[tilespmem:$0x10400] =	vst v63  }
0x32f: {  	s28 =	sor.u32 $0x1C00, s22;
	s29 =	sadd.s32 $0xB80, s12  }
0x330: {  	[hbm4b:s29+s3] =	stream.linear.scatter [tilespmem:s28], [sflag:$0x1], $0x80, $0x38;
	[tilespmem:$0x10400] =	vst v63  }
0x331: {  	s30 =	sor.u32 $0x2000, s22;
	s31 =	sadd.s32 $0xC00, s12  }
0x332: {  	[hbm4b:s31+s3] =	stream.linear.scatter [tilespmem:s30], [sflag:$0x1], $0x80, $0x38;
	[tilespmem:$0x10400] =	vst v63  }
0x333: {  	s1 =	sor.u32 $0x2400, s22;
	s2 =	sadd.s32 $0xC80, s12  }
0x334: {  	[hbm4b:s2+s3] =	stream.linear.scatter [tilespmem:s1], [sflag:$0x1], $0x80, $0x38;
	[tilespmem:$0x10400] =	vst v63  }
0x335: {  	s25 =	sor.u32 $0x2800, s22;
	s26 =	sadd.s32 $0xD00, s12  }
0x336: {  	[hbm4b:s26+s3] =	stream.linear.scatter [tilespmem:s25], [sflag:$0x1], $0x80, $0x38;
	[tilespmem:$0x10400] =	vst v63  }
0x337: {  	s28 =	sor.u32 $0x2C00, s22;
	s29 =	sadd.s32 $0xD80, s12  }
0x338: {  	[hbm4b:s29+s3] =	stream.linear.scatter [tilespmem:s28], [sflag:$0x1], $0x80, $0x38;
	[tilespmem:$0x10400] =	vst v63  }
0x339: {  	s30 =	sor.u32 $0x3000, s22;
	s31 =	sadd.s32 $0xE00, s12  }
0x33a: {  	[hbm4b:s31+s3] =	stream.linear.scatter [tilespmem:s30], [sflag:$0x1], $0x80, $0x38;
	[tilespmem:$0x10400] =	vst v63  }
0x33b: {  	s2 =	sor.u32 $0x3400, s22;
	s25 =	sadd.s32 $0xE80, s12  }
0x33c: {  	[hbm4b:s25+s3] =	stream.linear.scatter [tilespmem:s2], [sflag:$0x1], $0x80, $0x38;
	[tilespmem:$0x10400] =	vst v63  }
0x33d: {  	s26 =	sor.u32 $0x3800, s22;
	s28 =	sadd.s32 $0xF00, s12  }
0x33e: {  	[hbm4b:s28+s3] =	stream.linear.scatter [tilespmem:s26], [sflag:$0x1], $0x80, $0x38;
	[tilespmem:$0x10400] =	vst v63  }
0x33f: {  	s29 =	sor.u32 $0x3C00, s22;
	s30 =	sadd.s32 $0xF80, s12;
	s31 =	sand.u32 $0x380, s24  }
0x340: {  	[hbm4b:s30+s3] =	stream.linear.scatter [tilespmem:s29], [sflag:$0x1], $0x80, $0x38;
	[tilespmem:$0x10400] =	vst v63  }
0x341: {  	s22 =	sor.u32 s31, s23;
	s2 =	sadd.s32 $0x810, s12  }
0x342: {  	[hbm4b:s2+s3] =	stream.linear.scatter [tilespmem:s22], [sflag:$0x1], $0x80, $0x38;
	[tilespmem:$0x10400] =	vst v63  }
0x343: {  	s24 =	sadd.s32 $0x890, s12;
	s23 =	sor.u32 $0x400, s22  }
0x344: {  	[hbm4b:s24+s3] =	stream.linear.scatter [tilespmem:s23], [sflag:$0x1], $0x80, $0x38;
	[tilespmem:$0x10400] =	vst v63  }
0x345: {  	s25 =	sor.u32 $0x800, s22;
	s26 =	sadd.s32 $0x910, s12  }
0x346: {  	[hbm4b:s26+s3] =	stream.linear.scatter [tilespmem:s25], [sflag:$0x1], $0x80, $0x38;
	[tilespmem:$0x10400] =	vst v63  }
0x347: {  	s28 =	sor.u32 $0xC00, s22;
	s29 =	sadd.s32 $0x990, s12  }
0x348: {  	[hbm4b:s29+s3] =	stream.linear.scatter [tilespmem:s28], [sflag:$0x1], $0x80, $0x38;
	[tilespmem:$0x10400] =	vst v63  }
0x349: {  	s31 =	sadd.s32 $0xA10, s12;
	s30 =	sor.u32 $0x1000, s22  }
0x34a: {  	[hbm4b:s31+s3] =	stream.linear.scatter [tilespmem:s30], [sflag:$0x1], $0x80, $0x38;
	[tilespmem:$0x10400] =	vst v63  }
0x34b: {  	s1 =	sor.u32 $0x1400, s22;
	s2 =	sadd.s32 $0xA90, s12  }
0x34c: {  	[hbm4b:s2+s3] =	stream.linear.scatter [tilespmem:s1], [sflag:$0x1], $0x80, $0x38;
	[tilespmem:$0x10400] =	vst v63  }
0x34d: {  	s23 =	sor.u32 $0x1800, s22;
	s24 =	sadd.s32 $0xB10, s12  }
0x34e: {  	[hbm4b:s24+s3] =	stream.linear.scatter [tilespmem:s23], [sflag:$0x1], $0x80, $0x38;
	[tilespmem:$0x10400] =	vst v63  }
0x34f: {  	s25 =	sor.u32 $0x1C00, s22;
	s26 =	sadd.s32 $0xB90, s12  }
0x350: {  	[hbm4b:s26+s3] =	stream.linear.scatter [tilespmem:s25], [sflag:$0x1], $0x80, $0x38;
	[tilespmem:$0x10400] =	vst v63  }
0x351: {  	s28 =	sor.u32 $0x2000, s22;
	s29 =	sadd.s32 $0xC10, s12  }
0x352: {  	[hbm4b:s29+s3] =	stream.linear.scatter [tilespmem:s28], [sflag:$0x1], $0x80, $0x38;
	[tilespmem:$0x10400] =	vst v63  }
0x353: {  	s30 =	sor.u32 $0x2400, s22;
	s31 =	sadd.s32 $0xC90, s12  }
0x354: {  	[hbm4b:s31+s3] =	stream.linear.scatter [tilespmem:s30], [sflag:$0x1], $0x80, $0x38;
	[tilespmem:$0x10400] =	vst v63  }
0x355: {  	s1 =	sor.u32 $0x2800, s22;
	s2 =	sadd.s32 $0xD10, s12  }
0x356: {  	[hbm4b:s2+s3] =	stream.linear.scatter [tilespmem:s1], [sflag:$0x1], $0x80, $0x38;
	[tilespmem:$0x10400] =	vst v63  }
0x357: {  	s23 =	sor.u32 $0x2C00, s22;
	s24 =	sadd.s32 $0xD90, s12  }
0x358: {  	[hbm4b:s24+s3] =	stream.linear.scatter [tilespmem:s23], [sflag:$0x1], $0x80, $0x38;
	[tilespmem:$0x10400] =	vst v63  }
0x359: {  	s25 =	sor.u32 $0x3000, s22;
	s26 =	sadd.s32 $0xE10, s12  }
0x35a: {  	[hbm4b:s26+s3] =	stream.linear.scatter [tilespmem:s25], [sflag:$0x1], $0x80, $0x38;
	[tilespmem:$0x10400] =	vst v63  }
0x35b: {  	s28 =	sor.u32 $0x3400, s22;
	s29 =	sadd.s32 $0xE90, s12  }
0x35c: {  	[hbm4b:s29+s3] =	stream.linear.scatter [tilespmem:s28], [sflag:$0x1], $0x80, $0x38;
	[tilespmem:$0x10400] =	vst v63  }
0x35d: {  	s30 =	sor.u32 $0x3800, s22;
	s31 =	sadd.s32 $0xF10, s12  }
0x35e: {  	[hbm4b:s31+s3] =	stream.linear.scatter [tilespmem:s30], [sflag:$0x1], $0x80, $0x38;
	[tilespmem:$0x10400] =	vst v63  }
0x35f: {  	s1 =	sor.u32 $0x3C00, s22;
	s2 =	sadd.s32 $0xF90, s12  }
0x360: {  	[hbm4b:s2+s3] =	stream.linear.scatter [tilespmem:s1], [sflag:$0x1], $0x80, $0x38;
	[tilespmem:$0x10400] =	vst v63  }
0x361: {  	s22 =	sadd.s32 $0x820, s12  }
0x362: {  	[hbm4b:s22+s3] =	stream.linear.scatter [tilespmem:s21], [sflag:$0x1], $0x80, $0x38;
	[tilespmem:$0x10400] =	vst v63  }
0x363: {  	s23 =	sor.u32 $0x400, s21;
	s24 =	sadd.s32 $0x8A0, s12  }
0x364: {  	[hbm4b:s24+s3] =	stream.linear.scatter [tilespmem:s23], [sflag:$0x1], $0x80, $0x38;
	[tilespmem:$0x10400] =	vst v63  }
0x365: {  	s25 =	sor.u32 $0x800, s21;
	s26 =	sadd.s32 $0x920, s12  }
0x366: {  	[hbm4b:s26+s3] =	stream.linear.scatter [tilespmem:s25], [sflag:$0x1], $0x80, $0x38;
	[tilespmem:$0x10400] =	vst v63  }
0x367: {  	s28 =	sor.u32 $0xC00, s21;
	s29 =	sadd.s32 $0x9A0, s12  }
0x368: {  	[hbm4b:s29+s3] =	stream.linear.scatter [tilespmem:s28], [sflag:$0x1], $0x80, $0x38;
	[tilespmem:$0x10400] =	vst v63  }
0x369: {  	s30 =	sor.u32 $0x1000, s21;
	s31 =	sadd.s32 $0xA20, s12  }
0x36a: {  	[hbm4b:s31+s3] =	stream.linear.scatter [tilespmem:s30], [sflag:$0x1], $0x80, $0x38;
	[tilespmem:$0x10400] =	vst v63  }
0x36b: {  	s2 =	sor.u32 $0x1400, s21;
	s22 =	sadd.s32 $0xAA0, s12  }
0x36c: {  	[hbm4b:s22+s3] =	stream.linear.scatter [tilespmem:s2], [sflag:$0x1], $0x80, $0x38;
	[tilespmem:$0x10400] =	vst v63  }
0x36d: {  	s23 =	sor.u32 $0x1800, s21;
	s24 =	sadd.s32 $0xB20, s12  }
0x36e: {  	[hbm4b:s24+s3] =	stream.linear.scatter [tilespmem:s23], [sflag:$0x1], $0x80, $0x38;
	[tilespmem:$0x10400] =	vst v63  }
0x36f: {  	s25 =	sor.u32 $0x1C00, s21;
	s26 =	sadd.s32 $0xBA0, s12  }
0x370: {  	[hbm4b:s26+s3] =	stream.linear.scatter [tilespmem:s25], [sflag:$0x1], $0x80, $0x38;
	[tilespmem:$0x10400] =	vst v63  }
0x371: {  	s28 =	sor.u32 $0x2000, s21;
	s29 =	sadd.s32 $0xC20, s12  }
0x372: {  	[hbm4b:s29+s3] =	stream.linear.scatter [tilespmem:s28], [sflag:$0x1], $0x80, $0x38;
	[tilespmem:$0x10400] =	vst v63  }
0x373: {  	s30 =	sor.u32 $0x2400, s21;
	s31 =	sadd.s32 $0xCA0, s12  }
0x374: {  	[hbm4b:s31+s3] =	stream.linear.scatter [tilespmem:s30], [sflag:$0x1], $0x80, $0x38;
	[tilespmem:$0x10400] =	vst v63  }
0x375: {  	s2 =	sor.u32 $0x2800, s21;
	s22 =	sadd.s32 $0xD20, s12  }
0x376: {  	[hbm4b:s22+s3] =	stream.linear.scatter [tilespmem:s2], [sflag:$0x1], $0x80, $0x38;
	[tilespmem:$0x10400] =	vst v63  }
0x377: {  	s23 =	sor.u32 $0x2C00, s21;
	s24 =	sadd.s32 $0xDA0, s12  }
0x378: {  	[hbm4b:s24+s3] =	stream.linear.scatter [tilespmem:s23], [sflag:$0x1], $0x80, $0x38;
	[tilespmem:$0x10400] =	vst v63  }
0x379: {  	s25 =	sor.u32 $0x3000, s21;
	s26 =	sadd.s32 $0xE20, s12  }
0x37a: {  	[hbm4b:s26+s3] =	stream.linear.scatter [tilespmem:s25], [sflag:$0x1], $0x80, $0x38;
	[tilespmem:$0x10400] =	vst v63  }
0x37b: {  	s28 =	sor.u32 $0x3400, s21;
	s29 =	sadd.s32 $0xEA0, s12  }
0x37c: {  	[hbm4b:s29+s3] =	stream.linear.scatter [tilespmem:s28], [sflag:$0x1], $0x80, $0x38;
	[tilespmem:$0x10400] =	vst v63  }
0x37d: {  	s30 =	sor.u32 $0x3800, s21;
	s31 =	sadd.s32 $0xF20, s12  }
0x37e: {  	[hbm4b:s31+s3] =	stream.linear.scatter [tilespmem:s30], [sflag:$0x1], $0x80, $0x38;
	[tilespmem:$0x10400] =	vst v63  }
0x37f: {  	s2 =	sor.u32 $0x3C00, s21;
	s21 =	sadd.s32 $0xFA0, s12  }
0x380: {  	[hbm4b:s21+s3] =	stream.linear.scatter [tilespmem:s2], [sflag:$0x1], $0x80, $0x38;
	[tilespmem:$0x10400] =	vst v63  }
0x381: {  	s22 =	sadd.s32 $0x830, s12  }
0x382: {  	[hbm4b:s22+s3] =	stream.linear.scatter [tilespmem:s18], [sflag:$0x1], $0x80, $0x38;
	[tilespmem:$0x10400] =	vst v63  }
0x383: {  	s23 =	sor.u32 $0x400, s18;
	s24 =	sadd.s32 $0x8B0, s12  }
0x384: {  	[hbm4b:s24+s3] =	stream.linear.scatter [tilespmem:s23], [sflag:$0x1], $0x80, $0x38;
	[tilespmem:$0x10400] =	vst v63  }
0x385: {  	s25 =	sor.u32 $0x800, s18;
	s26 =	sadd.s32 $0x930, s12  }
0x386: {  	[hbm4b:s26+s3] =	stream.linear.scatter [tilespmem:s25], [sflag:$0x1], $0x80, $0x38;
	[tilespmem:$0x10400] =	vst v63  }
0x387: {  	s28 =	sor.u32 $0xC00, s18;
	s29 =	sadd.s32 $0x9B0, s12  }
0x388: {  	[hbm4b:s29+s3] =	stream.linear.scatter [tilespmem:s28], [sflag:$0x1], $0x80, $0x38;
	[tilespmem:$0x10400] =	vst v63  }
0x389: {  	s30 =	sor.u32 $0x1000, s18;
	s31 =	sadd.s32 $0xA30, s12  }
0x38a: {  	[hbm4b:s31+s3] =	stream.linear.scatter [tilespmem:s30], [sflag:$0x1], $0x80, $0x38;
	[tilespmem:$0x10400] =	vst v63  }
0x38b: {  	s1 =	sor.u32 $0x1400, s18;
	s2 =	sadd.s32 $0xAB0, s12  }
0x38c: {  	[hbm4b:s2+s3] =	stream.linear.scatter [tilespmem:s1], [sflag:$0x1], $0x80, $0x38;
	[tilespmem:$0x10400] =	vst v63  }
0x38d: {  	s21 =	sor.u32 $0x1800, s18;
	s22 =	sadd.s32 $0xB30, s12  }
0x38e: {  	[hbm4b:s22+s3] =	stream.linear.scatter [tilespmem:s21], [sflag:$0x1], $0x80, $0x38;
	[tilespmem:$0x10400] =	vst v63  }
0x38f: {  	s23 =	sor.u32 $0x1C00, s18;
	s24 =	sadd.s32 $0xBB0, s12  }
0x390: {  	[hbm4b:s24+s3] =	stream.linear.scatter [tilespmem:s23], [sflag:$0x1], $0x80, $0x38;
	[tilespmem:$0x10400] =	vst v63  }
0x391: {  	s25 =	sor.u32 $0x2000, s18;
	s26 =	sadd.s32 $0xC30, s12  }
0x392: {  	[hbm4b:s26+s3] =	stream.linear.scatter [tilespmem:s25], [sflag:$0x1], $0x80, $0x38;
	[tilespmem:$0x10400] =	vst v63  }
0x393: {  	s28 =	sor.u32 $0x2400, s18;
	s29 =	sadd.s32 $0xCB0, s12  }
0x394: {  	[hbm4b:s29+s3] =	stream.linear.scatter [tilespmem:s28], [sflag:$0x1], $0x80, $0x38;
	[tilespmem:$0x10400] =	vst v63  }
0x395: {  	s30 =	sor.u32 $0x2800, s18;
	s31 =	sadd.s32 $0xD30, s12  }
0x396: {  	[hbm4b:s31+s3] =	stream.linear.scatter [tilespmem:s30], [sflag:$0x1], $0x80, $0x38;
	[tilespmem:$0x10400] =	vst v63  }
0x397: {  	s2 =	sor.u32 $0x2C00, s18;
	s21 =	sadd.s32 $0xDB0, s12  }
0x398: {  	[hbm4b:s21+s3] =	stream.linear.scatter [tilespmem:s2], [sflag:$0x1], $0x80, $0x38;
	[tilespmem:$0x10400] =	vst v63  }
0x399: {  	s22 =	sor.u32 $0x3000, s18;
	s23 =	sadd.s32 $0xE30, s12  }
0x39a: {  	[hbm4b:s23+s3] =	stream.linear.scatter [tilespmem:s22], [sflag:$0x1], $0x80, $0x38;
	[tilespmem:$0x10400] =	vst v63  }
0x39b: {  	s24 =	sor.u32 $0x3400, s18;
	s25 =	sadd.s32 $0xEB0, s12  }
0x39c: {  	[hbm4b:s25+s3] =	stream.linear.scatter [tilespmem:s24], [sflag:$0x1], $0x80, $0x38;
	[tilespmem:$0x10400] =	vst v63  }
0x39d: {  	s20 =	sand.u32 $0xFFFFC000, s20;
	s26 =	sor.u32 $0x3800, s18;
	s28 =	sadd.s32 $0xF30, s12  }
0x39e: {  	[hbm4b:s28+s3] =	stream.linear.scatter [tilespmem:s26], [sflag:$0x1], $0x80, $0x38;
	[tilespmem:$0x10400] =	vst v63  }
0x39f: {  	s29 =	sor.u32 $0x3C00, s18;
	s30 =	sadd.s32 $0xFB0, s12;
	s31 =	sand.u32 $0x380, s19  }
0x3a0: {  	[hbm4b:s30+s3] =	stream.linear.scatter [tilespmem:s29], [sflag:$0x1], $0x80, $0x38;
	[tilespmem:$0x10400] =	vst v63  }
0x3a1: {  	s18 =	sor.u32 s31, s20;
	s2 =	sadd.s32 $0x840, s12  }
0x3a2: {  	[hbm4b:s2+s3] =	stream.linear.scatter [tilespmem:s18], [sflag:$0x1], $0x80, $0x38;
	[tilespmem:$0x10400] =	vst v63  }
0x3a3: {  	s20 =	sadd.s32 $0x8C0, s12;
	s19 =	sor.u32 $0x400, s18  }
0x3a4: {  	[hbm4b:s20+s3] =	stream.linear.scatter [tilespmem:s19], [sflag:$0x1], $0x80, $0x38;
	[tilespmem:$0x10400] =	vst v63  }
0x3a5: {  	s21 =	sor.u32 $0x800, s18;
	s22 =	sadd.s32 $0x940, s12  }
0x3a6: {  	[hbm4b:s22+s3] =	stream.linear.scatter [tilespmem:s21], [sflag:$0x1], $0x80, $0x38;
	[tilespmem:$0x10400] =	vst v63  }
0x3a7: {  	s23 =	sor.u32 $0xC00, s18;
	s24 =	sadd.s32 $0x9C0, s12  }
0x3a8: {  	[hbm4b:s24+s3] =	stream.linear.scatter [tilespmem:s23], [sflag:$0x1], $0x80, $0x38;
	[tilespmem:$0x10400] =	vst v63  }
0x3a9: {  	s25 =	sor.u32 $0x1000, s18;
	s26 =	sadd.s32 $0xA40, s12  }
0x3aa: {  	[hbm4b:s26+s3] =	stream.linear.scatter [tilespmem:s25], [sflag:$0x1], $0x80, $0x38;
	[tilespmem:$0x10400] =	vst v63  }
0x3ab: {  	s28 =	sor.u32 $0x1400, s18;
	s29 =	sadd.s32 $0xAC0, s12  }
0x3ac: {  	[hbm4b:s29+s3] =	stream.linear.scatter [tilespmem:s28], [sflag:$0x1], $0x80, $0x38;
	[tilespmem:$0x10400] =	vst v63  }
0x3ad: {  	s31 =	sadd.s32 $0xB40, s12;
	s30 =	sor.u32 $0x1800, s18  }
0x3ae: {  	[hbm4b:s31+s3] =	stream.linear.scatter [tilespmem:s30], [sflag:$0x1], $0x80, $0x38;
	[tilespmem:$0x10400] =	vst v63  }
0x3af: {  	s1 =	sor.u32 $0x1C00, s18;
	s2 =	sadd.s32 $0xBC0, s12  }
0x3b0: {  	[hbm4b:s2+s3] =	stream.linear.scatter [tilespmem:s1], [sflag:$0x1], $0x80, $0x38;
	[tilespmem:$0x10400] =	vst v63  }
0x3b1: {  	s19 =	sor.u32 $0x2000, s18;
	s20 =	sadd.s32 $0xC40, s12  }
0x3b2: {  	[hbm4b:s20+s3] =	stream.linear.scatter [tilespmem:s19], [sflag:$0x1], $0x80, $0x38;
	[tilespmem:$0x10400] =	vst v63  }
0x3b3: {  	s21 =	sor.u32 $0x2400, s18;
	s22 =	sadd.s32 $0xCC0, s12  }
0x3b4: {  	[hbm4b:s22+s3] =	stream.linear.scatter [tilespmem:s21], [sflag:$0x1], $0x80, $0x38;
	[tilespmem:$0x10400] =	vst v63  }
0x3b5: {  	s23 =	sor.u32 $0x2800, s18;
	s24 =	sadd.s32 $0xD40, s12  }
0x3b6: {  	[hbm4b:s24+s3] =	stream.linear.scatter [tilespmem:s23], [sflag:$0x1], $0x80, $0x38;
	[tilespmem:$0x10400] =	vst v63  }
0x3b7: {  	s25 =	sor.u32 $0x2C00, s18;
	s26 =	sadd.s32 $0xDC0, s12  }
0x3b8: {  	[hbm4b:s26+s3] =	stream.linear.scatter [tilespmem:s25], [sflag:$0x1], $0x80, $0x38;
	[tilespmem:$0x10400] =	vst v63  }
0x3b9: {  	s28 =	sor.u32 $0x3000, s18;
	s29 =	sadd.s32 $0xE40, s12  }
0x3ba: {  	[hbm4b:s29+s3] =	stream.linear.scatter [tilespmem:s28], [sflag:$0x1], $0x80, $0x38;
	[tilespmem:$0x10400] =	vst v63  }
0x3bb: {  	s30 =	sor.u32 $0x3400, s18;
	s31 =	sadd.s32 $0xEC0, s12  }
0x3bc: {  	[hbm4b:s31+s3] =	stream.linear.scatter [tilespmem:s30], [sflag:$0x1], $0x80, $0x38;
	[tilespmem:$0x10400] =	vst v63  }
0x3bd: {  	s1 =	sor.u32 $0x3800, s18;
	s2 =	sadd.s32 $0xF40, s12  }
0x3be: {  	[hbm4b:s2+s3] =	stream.linear.scatter [tilespmem:s1], [sflag:$0x1], $0x80, $0x38;
	[tilespmem:$0x10400] =	vst v63  }
0x3bf: {  	s19 =	sor.u32 $0x3C00, s18;
	s20 =	sadd.s32 $0xFC0, s12;
	s21 =	sand.u32 $0x380, s17  }
0x3c0: {  	[hbm4b:s20+s3] =	stream.linear.scatter [tilespmem:s19], [sflag:$0x1], $0x80, $0x38;
	[tilespmem:$0x10400] =	vst v63  }
0x3c1: {  	s22 =	sadd.s32 $0x850, s12;
	s16 =	sor.u32 s21, s16  }
0x3c2: {  	[hbm4b:s22+s3] =	stream.linear.scatter [tilespmem:s16], [sflag:$0x1], $0x80, $0x38;
	[tilespmem:$0x10400] =	vst v63  }
0x3c3: {  	s23 =	sor.u32 $0x400, s16;
	s24 =	sadd.s32 $0x8D0, s12  }
0x3c4: {  	[hbm4b:s24+s3] =	stream.linear.scatter [tilespmem:s23], [sflag:$0x1], $0x80, $0x38;
	[tilespmem:$0x10400] =	vst v63  }
0x3c5: {  	s25 =	sor.u32 $0x800, s16;
	s26 =	sadd.s32 $0x950, s12  }
0x3c6: {  	[hbm4b:s26+s3] =	stream.linear.scatter [tilespmem:s25], [sflag:$0x1], $0x80, $0x38;
	[tilespmem:$0x10400] =	vst v63  }
0x3c7: {  	s28 =	sor.u32 $0xC00, s16;
	s29 =	sadd.s32 $0x9D0, s12  }
0x3c8: {  	[hbm4b:s29+s3] =	stream.linear.scatter [tilespmem:s28], [sflag:$0x1], $0x80, $0x38;
	[tilespmem:$0x10400] =	vst v63  }
0x3c9: {  	s30 =	sor.u32 $0x1000, s16;
	s31 =	sadd.s32 $0xA50, s12  }
0x3ca: {  	[hbm4b:s31+s3] =	stream.linear.scatter [tilespmem:s30], [sflag:$0x1], $0x80, $0x38;
	[tilespmem:$0x10400] =	vst v63  }
0x3cb: {  	s1 =	sor.u32 $0x1400, s16;
	s2 =	sadd.s32 $0xAD0, s12  }
0x3cc: {  	[hbm4b:s2+s3] =	stream.linear.scatter [tilespmem:s1], [sflag:$0x1], $0x80, $0x38;
	[tilespmem:$0x10400] =	vst v63  }
0x3cd: {  	s18 =	sadd.s32 $0xB50, s12;
	s17 =	sor.u32 $0x1800, s16  }
0x3ce: {  	[hbm4b:s18+s3] =	stream.linear.scatter [tilespmem:s17], [sflag:$0x1], $0x80, $0x38;
	[tilespmem:$0x10400] =	vst v63  }
0x3cf: {  	s19 =	sor.u32 $0x1C00, s16;
	s20 =	sadd.s32 $0xBD0, s12  }
0x3d0: {  	[hbm4b:s20+s3] =	stream.linear.scatter [tilespmem:s19], [sflag:$0x1], $0x80, $0x38;
	[tilespmem:$0x10400] =	vst v63  }
0x3d1: {  	s21 =	sor.u32 $0x2000, s16;
	s22 =	sadd.s32 $0xC50, s12  }
0x3d2: {  	[hbm4b:s22+s3] =	stream.linear.scatter [tilespmem:s21], [sflag:$0x1], $0x80, $0x38;
	[tilespmem:$0x10400] =	vst v63  }
0x3d3: {  	s23 =	sor.u32 $0x2400, s16;
	s24 =	sadd.s32 $0xCD0, s12  }
0x3d4: {  	[hbm4b:s24+s3] =	stream.linear.scatter [tilespmem:s23], [sflag:$0x1], $0x80, $0x38;
	[tilespmem:$0x10400] =	vst v63  }
0x3d5: {  	s25 =	sor.u32 $0x2800, s16;
	s26 =	sadd.s32 $0xD50, s12  }
0x3d6: {  	[hbm4b:s26+s3] =	stream.linear.scatter [tilespmem:s25], [sflag:$0x1], $0x80, $0x38;
	[tilespmem:$0x10400] =	vst v63  }
0x3d7: {  	s28 =	sor.u32 $0x2C00, s16;
	s29 =	sadd.s32 $0xDD0, s12  }
0x3d8: {  	[hbm4b:s29+s3] =	stream.linear.scatter [tilespmem:s28], [sflag:$0x1], $0x80, $0x38;
	[tilespmem:$0x10400] =	vst v63  }
0x3d9: {  	s30 =	sor.u32 $0x3000, s16;
	s31 =	sadd.s32 $0xE50, s12  }
0x3da: {  	[hbm4b:s31+s3] =	stream.linear.scatter [tilespmem:s30], [sflag:$0x1], $0x80, $0x38;
	[tilespmem:$0x10400] =	vst v63  }
0x3db: {  	s2 =	sor.u32 $0x3400, s16;
	s17 =	sadd.s32 $0xED0, s12  }
0x3dc: {  	[hbm4b:s17+s3] =	stream.linear.scatter [tilespmem:s2], [sflag:$0x1], $0x80, $0x38;
	[tilespmem:$0x10400] =	vst v63  }
0x3dd: {  	s15 =	sshll.u32 s15, $0x7;
	s18 =	sor.u32 $0x3800, s16;
	s19 =	sadd.s32 $0xF50, s12  }
0x3de: {  	[hbm4b:s19+s3] =	stream.linear.scatter [tilespmem:s18], [sflag:$0x1], $0x80, $0x38;
	[tilespmem:$0x10400] =	vst v63  }
0x3df: {  	s15 =	sand.u32 $0x380, s15;
	s20 =	sor.u32 $0x3C00, s16;
	s21 =	sadd.s32 $0xFD0, s12  }
0x3e0: {  	[hbm4b:s21+s3] =	stream.linear.scatter [tilespmem:s20], [sflag:$0x1], $0x80, $0x38;
	[tilespmem:$0x10400] =	vst v63  }
0x3e1: {  	s14 =	sor.u32 s15, s14;
	s22 =	sadd.s32 $0x860, s12  }
0x3e2: {  	[hbm4b:s22+s3] =	stream.linear.scatter [tilespmem:s14], [sflag:$0x1], $0x80, $0x38;
	[tilespmem:$0x10400] =	vst v63  }
0x3e3: {  	s23 =	sor.u32 $0x400, s14;
	s24 =	sadd.s32 $0x8E0, s12  }
0x3e4: {  	[hbm4b:s24+s3] =	stream.linear.scatter [tilespmem:s23], [sflag:$0x1], $0x80, $0x38;
	[tilespmem:$0x10400] =	vst v63  }
0x3e5: {  	s25 =	sor.u32 $0x800, s14;
	s26 =	sadd.s32 $0x960, s12  }
0x3e6: {  	[hbm4b:s26+s3] =	stream.linear.scatter [tilespmem:s25], [sflag:$0x1], $0x80, $0x38;
	[tilespmem:$0x10400] =	vst v63  }
0x3e7: {  	s28 =	sor.u32 $0xC00, s14;
	s29 =	sadd.s32 $0x9E0, s12  }
0x3e8: {  	[hbm4b:s29+s3] =	stream.linear.scatter [tilespmem:s28], [sflag:$0x1], $0x80, $0x38;
	[tilespmem:$0x10400] =	vst v63  }
0x3e9: {  	s30 =	sor.u32 $0x1000, s14;
	s31 =	sadd.s32 $0xA60, s12  }
0x3ea: {  	[hbm4b:s31+s3] =	stream.linear.scatter [tilespmem:s30], [sflag:$0x1], $0x80, $0x38;
	[tilespmem:$0x10400] =	vst v63  }
0x3eb: {  	s1 =	sor.u32 $0x1400, s14;
	s2 =	sadd.s32 $0xAE0, s12  }
0x3ec: {  	[hbm4b:s2+s3] =	stream.linear.scatter [tilespmem:s1], [sflag:$0x1], $0x80, $0x38;
	[tilespmem:$0x10400] =	vst v63  }
0x3ed: {  	s15 =	sor.u32 $0x1800, s14;
	s16 =	sadd.s32 $0xB60, s12  }
0x3ee: {  	[hbm4b:s16+s3] =	stream.linear.scatter [tilespmem:s15], [sflag:$0x1], $0x80, $0x38;
	[tilespmem:$0x10400] =	vst v63  }
0x3ef: {  	s17 =	sor.u32 $0x1C00, s14;
	s18 =	sadd.s32 $0xBE0, s12  }
0x3f0: {  	[hbm4b:s18+s3] =	stream.linear.scatter [tilespmem:s17], [sflag:$0x1], $0x80, $0x38;
	[tilespmem:$0x10400] =	vst v63  }
0x3f1: {  	s19 =	sor.u32 $0x2000, s14;
	s20 =	sadd.s32 $0xC60, s12  }
0x3f2: {  	[hbm4b:s20+s3] =	stream.linear.scatter [tilespmem:s19], [sflag:$0x1], $0x80, $0x38;
	[tilespmem:$0x10400] =	vst v63  }
0x3f3: {  	s21 =	sor.u32 $0x2400, s14;
	s22 =	sadd.s32 $0xCE0, s12  }
0x3f4: {  	[hbm4b:s22+s3] =	stream.linear.scatter [tilespmem:s21], [sflag:$0x1], $0x80, $0x38;
	[tilespmem:$0x10400] =	vst v63  }
0x3f5: {  	s23 =	sor.u32 $0x2800, s14;
	s24 =	sadd.s32 $0xD60, s12  }
0x3f6: {  	[hbm4b:s24+s3] =	stream.linear.scatter [tilespmem:s23], [sflag:$0x1], $0x80, $0x38;
	[tilespmem:$0x10400] =	vst v63  }
0x3f7: {  	s25 =	sor.u32 $0x2C00, s14;
	s26 =	sadd.s32 $0xDE0, s12  }
0x3f8: {  	[hbm4b:s26+s3] =	stream.linear.scatter [tilespmem:s25], [sflag:$0x1], $0x80, $0x38;
	[tilespmem:$0x10400] =	vst v63  }
0x3f9: {  	s28 =	sor.u32 $0x3000, s14;
	s29 =	sadd.s32 $0xE60, s12  }
0x3fa: {  	[hbm4b:s29+s3] =	stream.linear.scatter [tilespmem:s28], [sflag:$0x1], $0x80, $0x38;
	[tilespmem:$0x10400] =	vst v63  }
0x3fb: {  	s30 =	sor.u32 $0x3400, s14;
	s31 =	sadd.s32 $0xEE0, s12  }
0x3fc: {  	[hbm4b:s31+s3] =	stream.linear.scatter [tilespmem:s30], [sflag:$0x1], $0x80, $0x38;
	[tilespmem:$0x10400] =	vst v63  }
0x3fd: {  	s2 =	sor.u32 $0x3800, s14;
	s15 =	sadd.s32 $0xF60, s12  }
0x3fe: {  	[hbm4b:s15+s3] =	stream.linear.scatter [tilespmem:s2], [sflag:$0x1], $0x80, $0x38;
	[tilespmem:$0x10400] =	vst v63  }
0x3ff: {  	s16 =	sor.u32 $0x3C00, s14;
	s17 =	sadd.s32 $0xFE0, s12  }
0x400: {  	[hbm4b:s17+s3] =	stream.linear.scatter [tilespmem:s16], [sflag:$0x1], $0x80, $0x38;
	[tilespmem:$0x10400] =	vst v63  }
0x401: {  	s18 =	sadd.s32 $0x870, s12  }
0x402: {  	[hbm4b:s18+s3] =	stream.linear.scatter [tilespmem:s13], [sflag:$0x1], $0x80, $0x38;
	[tilespmem:$0x10400] =	vst v63  }
0x403: {  	s19 =	sor.u32 $0x400, s13;
	s20 =	sadd.s32 $0x8F0, s12  }
0x404: {  	[hbm4b:s20+s3] =	stream.linear.scatter [tilespmem:s19], [sflag:$0x1], $0x80, $0x38;
	[tilespmem:$0x10400] =	vst v63  }
0x405: {  	s21 =	sor.u32 $0x800, s13;
	s22 =	sadd.s32 $0x970, s12  }
0x406: {  	[hbm4b:s22+s3] =	stream.linear.scatter [tilespmem:s21], [sflag:$0x1], $0x80, $0x38;
	[tilespmem:$0x10400] =	vst v63  }
0x407: {  	s23 =	sor.u32 $0xC00, s13;
	s24 =	sadd.s32 $0x9F0, s12  }
0x408: {  	[hbm4b:s24+s3] =	stream.linear.scatter [tilespmem:s23], [sflag:$0x1], $0x80, $0x38;
	[tilespmem:$0x10400] =	vst v63  }
0x409: {  	s25 =	sor.u32 $0x1000, s13;
	s26 =	sadd.s32 $0xA70, s12  }
0x40a: {  	[hbm4b:s26+s3] =	stream.linear.scatter [tilespmem:s25], [sflag:$0x1], $0x80, $0x38;
	[tilespmem:$0x10400] =	vst v63  }
0x40b: {  	s28 =	sor.u32 $0x1400, s13;
	s29 =	sadd.s32 $0xAF0, s12  }
0x40c: {  	[hbm4b:s29+s3] =	stream.linear.scatter [tilespmem:s28], [sflag:$0x1], $0x80, $0x38;
	[tilespmem:$0x10400] =	vst v63  }
0x40d: {  	s30 =	sor.u32 $0x1800, s13;
	s31 =	sadd.s32 $0xB70, s12  }
0x40e: {  	[hbm4b:s31+s3] =	stream.linear.scatter [tilespmem:s30], [sflag:$0x1], $0x80, $0x38;
	[tilespmem:$0x10400] =	vst v63  }
0x40f: {  	s14 =	sadd.s32 $0xBF0, s12;
	s2 =	sor.u32 $0x1C00, s13  }
0x410: {  	[hbm4b:s14+s3] =	stream.linear.scatter [tilespmem:s2], [sflag:$0x1], $0x80, $0x38;
	[tilespmem:$0x10400] =	vst v63  }
0x411: {  	s15 =	sor.u32 $0x2000, s13;
	s16 =	sadd.s32 $0xC70, s12  }
0x412: {  	[hbm4b:s16+s3] =	stream.linear.scatter [tilespmem:s15], [sflag:$0x1], $0x80, $0x38;
	[tilespmem:$0x10400] =	vst v63  }
0x413: {  	s17 =	sor.u32 $0x2400, s13;
	s18 =	sadd.s32 $0xCF0, s12  }
0x414: {  	[hbm4b:s18+s3] =	stream.linear.scatter [tilespmem:s17], [sflag:$0x1], $0x80, $0x38;
	[tilespmem:$0x10400] =	vst v63  }
0x415: {  	s11 =	sadd.s32 $0x1, s11;
	s19 =	sor.u32 $0x2800, s13;
	s20 =	sadd.s32 $0xD70, s12  }
0x416: {  	[hbm4b:s20+s3] =	stream.linear.scatter [tilespmem:s19], [sflag:$0x1], $0x80, $0x38;
	[tilespmem:$0x10400] =	vst v63  }
0x417: {  	s9 =	sadd.s32 $0x1000, s9;
	s21 =	sor.u32 $0x2C00, s13;
	s22 =	sadd.s32 $0xDF0, s12  }
0x418: {  	[hbm4b:s22+s3] =	stream.linear.scatter [tilespmem:s21], [sflag:$0x1], $0x80, $0x38;
	[tilespmem:$0x10400] =	vst v63  }
0x419: {  	p0 =	sne.s32 s9, $0x40000;
	s23 =	sor.u32 $0x3000, s13;
	s24 =	sadd.s32 $0xE70, s12  }
0x41a: {  	[hbm4b:s24+s3] =	stream.linear.scatter [tilespmem:s23], [sflag:$0x1], $0x80, $0x38;
	[tilespmem:$0x10400] =	vst v63  }
0x41b: {  	p1 =	slt.u32 s11, $0x8;
	s25 =	sor.u32 $0x3400, s13;
	s26 =	sadd.s32 $0xEF0, s12  }
0x41c: {  	[hbm4b:s26+s3] =	stream.linear.scatter [tilespmem:s25], [sflag:$0x1], $0x80, $0x38;
	[tilespmem:$0x10400] =	vst v63  }
.Ltmp0:
0x41d: {  	s28 =	sor.u32 $0x3800, s13;
	s29 =	sadd.s32 $0xF70, s12;
	(pc) =	sbr.rel @p0 .LBB2_2-.Ltmp0, $4  }
0x41e: {  	[hbm4b:s29+s3] =	stream.linear.scatter [tilespmem:s28], [sflag:$0x1], $0x80, $0x38;
	[tilespmem:$0x10400] =	vst v63  }
0x41f: {  	s30 =	sor.u32 $0x3C00, s13;
	s31 =	sadd.s32 $0xFF0, s12;
	s12 =	simm.s32 @!p1 $0x1  }
0x420: {  	[hbm4b:s31+s3] =	stream.linear.scatter [tilespmem:s30], [sflag:$0x1], $0x80, $0x38;
	[tilespmem:$0x10400] =	vst v63  }
0x421: {  	s10 =	sadd.s32 $0x10, s10;
	_ =	swait.ge @!p1 [sflag:s12], $0x8000  }
0x422: {  	[sflag:s12] =	ssyncset.done @!p1 $0x0  }
0x423: {  	[sflag:s12] =	ssyncadd.s32 @!p1 $0xFFFF8000  }
0x424: {  	_ =	swait.ge [sflag:s7], $0x8000  }
0x425: {  	[sflag:s7] =	ssyncset.done $0x0  }
0x426: {  	[sflag:s7] =	ssyncadd.s32 $0xFFFF8000  }
0x427: {  	_ =	swait.ge [sflag:s7], $0x8000  }
0x428: {  	[sflag:s7] =	ssyncset.done $0x0  }
0x429: {  	[sflag:s7] =	ssyncadd.s32 $0xFFFF8000  }
0x42a: {  	_ =	swait.ge [sflag:s7], $0x8000  }
0x42b: {  	[sflag:s7] =	ssyncset.done $0x0  }
0x42c: {  	[sflag:s7] =	ssyncadd.s32 $0xFFFF8000  }
0x42d: {  	_ =	swait.ge [sflag:s7], $0x8000  }
0x42e: {  	[sflag:s7] =	ssyncset.done $0x0  }
0x42f: {  	[sflag:s7] =	ssyncadd.s32 $0xFFFF8000  }
0x430: {  	_ =	swait.ge [sflag:s7], $0x8000  }
0x431: {  	[sflag:s7] =	ssyncset.done $0x0  }
0x432: {  	[sflag:s7] =	ssyncadd.s32 $0xFFFF8000  }
0x433: {  	_ =	swait.ge [sflag:s7], $0x8000  }
0x434: {  	[sflag:s7] =	ssyncset.done $0x0  }
0x435: {  	s8 =	sadd.s32 $0x1, s8;
	[sflag:s7] =	ssyncadd.s32 $0xFFFF8000  }
0x436: {  	p0 =	sne.s32 s8, s5;
	_ =	swait.ge [sflag:s7], $0x8000  }
.Ltmp1:
0x437: {  	[sflag:s7] =	ssyncset.done $0x0;
	(pc) =	sbr.rel @p0 .LBB2_1-.Ltmp1, $4  }
0x438: {  	[sflag:s7] =	ssyncadd.s32 $0xFFFF8000  }
0x439: {  	_ =	swait.ge [sflag:s7], $0x8000  }
0x43a: {  	[sflag:s7] =	ssyncset.done $0x0  }
0x43b: {  	[sflag:s7] =	ssyncadd.s32 $0xFFFF8000  }
0x43c: {  	_ =	sfence.sel $0x180000  }
0x43d: {  	[bflag:$0x0] =	sbarrier.arrive $0xFFFF  }
0x43e: {  	_ =	strace $0x90000047  }
0x43f: {  	s0 =	stileid.u32;
	[bflag:$0x2] =	sbarrier.arrive $0xFFFF  }
0x440: {  	p0 =	sne.s32 s0, $0x0;
	s0 =	rddreg [dreg:$0x3]  }
0x441: {  	s0 =	sadd.s32 @!p0 $0x100000, s0  }
0x442: {  	[sflag:s0] =	ssyncadd.tile.s32 @!p0 $0x1;
	_ =	shalt  }
.Lfunc_end2:
_tile_overlayer_lowered:
.L_overlay_start_2:
0x443: {  	(tag) =	ssettag $0x2  }
0x444: {  	s0 =	rddreg [dreg:$0x0];
	s2 =	stileid.u32  }
0x445: {  	s1 =	rddreg [dreg:$0x1];
	p0 =	sne.s32 s2, $0x0  }
0x446: {  	s3 =	rddreg [dreg:$0x2];
	[bflag:$0x3] =	sbarrier.arrive $0xFFFF;
	s2 =	simm.s32 @!p0 $0x1C02  }
0x447: {  	[timem:s3], [sflag:s2] =	dma.local @!p0 [hbm:s0], s1  }
0x448: {  	s0 =	simm.s32 @!p0 $0x2  }
0x449: {  	_ =	swait.ge @!p0 [sflag:s0], s1  }
0x44a: {  	s1 =	ssub.s32 @!p0 $0x0, s1;
	[sflag:s0] =	ssyncset.done @!p0 $0x0  }
0x44b: {  	[sflag:s0] =	ssyncadd.s32 @!p0 s1  }
0x44c: {  	[bflag:$0x3] =	sbarrier.arrive $0xFFFF  }
0x44d: {  	_ =	shalt  }

</sc_bundles>
